<compile_context>
chip_gen: v7x
topology: tpu7x:2x2x1
jax: 0.10.2.dev20260603
libtpu: 0.0.44.dev20260713+nightly
codegen_flags: <defaults>
</compile_context>

<pallas_src>
import functools

import jax
import jax.numpy as jnp
from jax import lax
from jax.experimental import pallas as pl
from jax.experimental.pallas import tpu as pltpu
from jax.experimental.pallas import tpu_sc as plsc

VOCAB = 1000000
N_WORD = 64
BATCH = 4096
SEQ = 50

_INFO = plsc.get_sparse_core_info()
_NC, _NS = _INFO.num_cores, _INFO.num_subcores
_NW = _NC * _NS
_B = BATCH * SEQ
_PER_W = _B // _NW
_CHUNK = 800
_NCHUNK = _PER_W // _CHUNK

_mesh = plsc.VectorSubcoreMesh(core_axis_name="c", subcore_axis_name="s")


@functools.partial(
    pl.kernel,
    mesh=_mesh,
    out_type=jax.ShapeDtypeStruct((_B, N_WORD), jnp.float32),
    scratch_types=[
        pltpu.VMEM((_PER_W,), jnp.int32),
        pltpu.VMEM((2, _CHUNK, N_WORD), jnp.float32),
        pltpu.SemaphoreType.DMA((2,)),
        pltpu.SemaphoreType.DMA((2,)),
    ],
    compiler_params=pltpu.CompilerParams(use_tc_tiling_on_sc=False),
)
def _gather_kernel(table_hbm, idx_hbm, out_hbm, idx_v, rows_v, gsem, wsem):
    rows_v = (rows_v.at[0], rows_v.at[1])
    wid = lax.axis_index("s") * _NC + lax.axis_index("c")
    base = wid * _PER_W
    pltpu.sync_copy(idx_hbm.at[wid], idx_v)

    def idx_slice(j):
        return idx_v.at[pl.ds(j * _CHUNK, _CHUNK)]

    def fire_gather(j):
        pltpu.async_copy(table_hbm.at[idx_slice(j)], rows_v[j % 2],
                         gsem.at[j % 2])

    def fire_write(j):
        pltpu.async_copy(rows_v[j % 2],
                         out_hbm.at[pl.ds(base + j * _CHUNK, _CHUNK)],
                         wsem.at[j % 2])

    fire_gather(0)
    for j in range(_NCHUNK):
        b = j % 2
        if j + 1 < _NCHUNK:
            if j >= 1:
                pltpu.make_async_copy(rows_v[(j + 1) % 2],
                                      out_hbm.at[pl.ds(0, _CHUNK)],
                                      wsem.at[(j + 1) % 2]).wait()
            fire_gather(j + 1)
        pltpu.make_async_copy(table_hbm.at[idx_slice(j)], rows_v[b],
                              gsem.at[b]).wait()
        fire_write(j)
    pltpu.make_async_copy(rows_v[(_NCHUNK - 1) % 2],
                          out_hbm.at[pl.ds(0, _CHUNK)],
                          wsem.at[(_NCHUNK - 1) % 2]).wait()


def kernel(table, val_tok):
    idx = val_tok.reshape(_NW, _PER_W).astype(jnp.int32)
    out = _gather_kernel(table, idx)
    return out.reshape(BATCH, SEQ, N_WORD)

# --- scband reference (transcript-rebuilt; emitter-appended) ---
"""Pipeline reference for scband-word-embedding-46188078301590 (READ-ONLY COPY).

The authoritative reference and input builder live on the scoring server;
editing this copy changes nothing except your own understanding.
"""

import jax, jax.numpy as jnp
import numpy as np

VOCAB = 1000000
N_WORD = 64
BATCH = 4096
SEQ = 50

def setup_inputs(seed: int = 0) -> dict:
    key = jax.random.key(seed)
    k_tab, k_idx = jax.random.split(key)
    table = jax.random.normal(k_tab, (VOCAB, N_WORD), dtype=jnp.float32)
    val_tok = jax.random.randint(k_idx, (BATCH, SEQ), 0, VOCAB, dtype=jnp.int64)
    return {"table": table, "val_tok": val_tok}

def reference(table, val_tok):
    # Faithful translation of the trainable-embedding path of WordEmbedding:
    # val_inp_var = self.embedding(val_tok_var)  -> gather rows of the table
    val_inp = jnp.take(table, val_tok, axis=0)
    return val_inp

if __name__ == "__main__":
    import jax
    _d = setup_inputs()
    print(jax.jit(kernel)(*tuple(_d.values())))

</pallas_src>

<mosaic_0001>
#map = affine_map<(d0, d1) -> (0, 0)>
module attributes {stable_mosaic.version = 14 : i64} {
  func.func @_gather_kernel(%arg0: i32, %arg1: i32, %arg2: memref<1000000x64xf32, #tpu.memory_space<hbm>>, %arg3: memref<32x6400xi32, #tpu.memory_space<hbm>>, %arg4: memref<204800x64xf32, #tpu.memory_space<hbm>>, %arg5: memref<6400xi32, #tpu.memory_space<vmem>>, %arg6: memref<2x800x64xf32, #tpu.memory_space<vmem>>, %arg7: memref<2x!tpu.dma_semaphore, #tpu.memory_space<semaphore_mem>>, %arg8: memref<2x!tpu.dma_semaphore, #tpu.memory_space<semaphore_mem>>) attributes {dimension_semantics = [#tpu.dimension_semantics<core_parallel>, #tpu.dimension_semantics<subcore_parallel>], iteration_bounds = array<i64: 2, 16>, scalar_prefetch = 0 : i64, scratch_operands = 4 : i64, tpu.core_type = #tpu.core_type<sc_vector_subcore>, window_params = [{transform_indices = #map}, {transform_indices = #map}, {transform_indices = #map}]} {
    %mul3A = arith.constant 2 : i32
    %mul3A_0 = arith.muli %arg1, %mul3A : i32
    %add3A = arith.addi %mul3A_0, %arg0 : i32
    %mul3A_1 = arith.constant 6400 : i32
    %mul3A_2 = arith.muli %add3A, %mul3A_1 : i32
    "tpu.region"() ({
      %run_scoped3A = tpu.sem_alloc : memref<!tpu.dma_semaphore, #tpu.memory_space<semaphore_mem>>
      %dma_start3A_479 = arith.constant 0 : i32
      %dma_start3A_480 = tpu.memref_slice %arg3[%add3A, %dma_start3A_479] : memref<32x6400xi32, #tpu.memory_space<hbm>> -> memref<1x6400xi32, #tpu.memory_space<hbm>>
      %dma_start3A_481 = tpu.memref_squeeze %dma_start3A_480 : memref<1x6400xi32, #tpu.memory_space<hbm>> -> memref<6400xi32, #tpu.memory_space<hbm>>
      %dma_start3A_482 = arith.constant 0 : i32
      %dma_start3A_483 = tpu.memref_slice %arg3[%add3A, %dma_start3A_482] : memref<32x6400xi32, #tpu.memory_space<hbm>> -> memref<1x6400xi32, #tpu.memory_space<hbm>>
      %dma_start3A_484 = tpu.memref_squeeze %dma_start3A_483 : memref<1x6400xi32, #tpu.memory_space<hbm>> -> memref<6400xi32, #tpu.memory_space<hbm>>
      tpu.enqueue_dma source(%dma_start3A_484 : memref<6400xi32, #tpu.memory_space<hbm>>) target(%arg5 : memref<6400xi32, #tpu.memory_space<vmem>>) target_semaphore(%run_scoped3A : memref<!tpu.dma_semaphore, #tpu.memory_space<semaphore_mem>>)
      %dma_wait3A_485 = arith.constant 0 : i32
      %dma_wait3A_486 = tpu.memref_slice %arg3[%add3A, %dma_wait3A_485] : memref<32x6400xi32, #tpu.memory_space<hbm>> -> memref<1x6400xi32, #tpu.memory_space<hbm>>
      %dma_wait3A_487 = tpu.memref_squeeze %dma_wait3A_486 : memref<1x6400xi32, #tpu.memory_space<hbm>> -> memref<6400xi32, #tpu.memory_space<hbm>>
      %dma_wait3A_488 = arith.constant 0 : i32
      %dma_wait3A_489 = tpu.memref_slice %arg3[%add3A, %dma_wait3A_488] : memref<32x6400xi32, #tpu.memory_space<hbm>> -> memref<1x6400xi32, #tpu.memory_space<hbm>>
      %dma_wait3A_490 = tpu.memref_squeeze %dma_wait3A_489 : memref<1x6400xi32, #tpu.memory_space<hbm>> -> memref<6400xi32, #tpu.memory_space<hbm>>
      tpu.wait_dma2 semaphore(%run_scoped3A : memref<!tpu.dma_semaphore, #tpu.memory_space<semaphore_mem>>) src(%dma_wait3A_490 : memref<6400xi32, #tpu.memory_space<hbm>>) dst(%arg5 : memref<6400xi32, #tpu.memory_space<vmem>>)
      tpu.yield
    }) : () -> ()
    %dma_start3A = arith.constant 0 : i32
    %dma_start3A_3 = arith.constant 0 : i32
    %dma_start3A_4 = arith.constant 0 : i32
    %dma_start3A_5 = arith.constant 0 : i32
    %dma_start3A_6 = tpu.memref_slice %arg6[%dma_start3A, %dma_start3A_4, %dma_start3A_5] : memref<2x800x64xf32, #tpu.memory_space<vmem>> -> memref<1x800x64xf32, #tpu.memory_space<vmem>>
    %dma_start3A_7 = tpu.memref_squeeze %dma_start3A_6 : memref<1x800x64xf32, #tpu.memory_space<vmem>> -> memref<800x64xf32, #tpu.memory_space<vmem>>
    %dma_start3A_8 = arith.constant 0 : i32
    %dma_start3A_9 = tpu.memref_slice %arg5[%dma_start3A_8] : memref<6400xi32, #tpu.memory_space<vmem>> -> memref<800xi32, #tpu.memory_space<vmem>>
    %dma_start3A_10 = arith.constant 0 : i32
    %dma_start3A_11 = arith.constant 0 : i32
    %dma_start3A_12 = tpu.memref_slice %arg2[%dma_start3A_10, %dma_start3A_11] : memref<1000000x64xf32, #tpu.memory_space<hbm>> -> memref<1000000x64xf32, #tpu.memory_space<hbm>>
    %dma_start3A_13 = tpu.memref_slice %arg7[%dma_start3A_3] : memref<2x!tpu.dma_semaphore, #tpu.memory_space<semaphore_mem>> -> memref<1x!tpu.dma_semaphore, #tpu.memory_space<semaphore_mem>>
    %dma_start3A_14 = tpu.memref_squeeze %dma_start3A_13 : memref<1x!tpu.dma_semaphore, #tpu.memory_space<semaphore_mem>> -> memref<!tpu.dma_semaphore, #tpu.memory_space<semaphore_mem>>
    tpu.enqueue_indirect_dma source(%dma_start3A_12 : memref<1000000x64xf32, #tpu.memory_space<hbm>>) target(%dma_start3A_7 : memref<800x64xf32, #tpu.memory_space<vmem>>) offsets(%dma_start3A_9 : memref<800xi32, #tpu.memory_space<vmem>>) semaphore(%dma_start3A_14 : memref<!tpu.dma_semaphore, #tpu.memory_space<semaphore_mem>>)
    %dma_start3A_15 = arith.constant 1 : i32
    %dma_start3A_16 = arith.constant 1 : i32
    %dma_start3A_17 = arith.constant 0 : i32
    %dma_start3A_18 = arith.constant 0 : i32
    %dma_start3A_19 = tpu.memref_slice %arg6[%dma_start3A_15, %dma_start3A_17, %dma_start3A_18] : memref<2x800x64xf32, #tpu.memory_space<vmem>> -> memref<1x800x64xf32, #tpu.memory_space<vmem>>
    %dma_start3A_20 = tpu.memref_squeeze %dma_start3A_19 : memref<1x800x64xf32, #tpu.memory_space<vmem>> -> memref<800x64xf32, #tpu.memory_space<vmem>>
    %dma_start3A_21 = arith.constant 800 : i32
    %dma_start3A_22 = tpu.memref_slice %arg5[%dma_start3A_21] : memref<6400xi32, #tpu.memory_space<vmem>> -> memref<800xi32, #tpu.memory_space<vmem>>
    %dma_start3A_23 = arith.constant 0 : i32
    %dma_start3A_24 = arith.constant 0 : i32
    %dma_start3A_25 = tpu.memref_slice %arg2[%dma_start3A_23, %dma_start3A_24] : memref<1000000x64xf32, #tpu.memory_space<hbm>> -> memref<1000000x64xf32, #tpu.memory_space<hbm>>
    %dma_start3A_26 = tpu.memref_slice %arg7[%dma_start3A_16] : memref<2x!tpu.dma_semaphore, #tpu.memory_space<semaphore_mem>> -> memref<1x!tpu.dma_semaphore, #tpu.memory_space<semaphore_mem>>
    %dma_start3A_27 = tpu.memref_squeeze %dma_start3A_26 : memref<1x!tpu.dma_semaphore, #tpu.memory_space<semaphore_mem>> -> memref<!tpu.dma_semaphore, #tpu.memory_space<semaphore_mem>>
    tpu.enqueue_indirect_dma source(%dma_start3A_25 : memref<1000000x64xf32, #tpu.memory_space<hbm>>) target(%dma_start3A_20 : memref<800x64xf32, #tpu.memory_space<vmem>>) offsets(%dma_start3A_22 : memref<800xi32, #tpu.memory_space<vmem>>) semaphore(%dma_start3A_27 : memref<!tpu.dma_semaphore, #tpu.memory_space<semaphore_mem>>)
    %dma_wait3A = arith.constant 0 : i32
    %dma_wait3A_28 = arith.constant 0 : i32
    %dma_wait3A_29 = arith.constant 0 : i32
    %dma_wait3A_30 = arith.constant 0 : i32
    %dma_wait3A_31 = tpu.memref_slice %arg6[%dma_wait3A, %dma_wait3A_29, %dma_wait3A_30] : memref<2x800x64xf32, #tpu.memory_space<vmem>> -> memref<1x800x64xf32, #tpu.memory_space<vmem>>
    %dma_wait3A_32 = tpu.memref_squeeze %dma_wait3A_31 : memref<1x800x64xf32, #tpu.memory_space<vmem>> -> memref<800x64xf32, #tpu.memory_space<vmem>>
    %dma_wait3A_33 = arith.constant 0 : i32
    %dma_wait3A_34 = tpu.memref_slice %arg5[%dma_wait3A_33] : memref<6400xi32, #tpu.memory_space<vmem>> -> memref<800xi32, #tpu.memory_space<vmem>>
    %dma_wait3A_35 = arith.constant 0 : i32
    %dma_wait3A_36 = arith.constant 0 : i32
    %dma_wait3A_37 = tpu.memref_slice %arg2[%dma_wait3A_35, %dma_wait3A_36] : memref<1000000x64xf32, #tpu.memory_space<hbm>> -> memref<1000000x64xf32, #tpu.memory_space<hbm>>
    %dma_wait3A_38 = tpu.memref_slice %arg7[%dma_wait3A_28] : memref<2x!tpu.dma_semaphore, #tpu.memory_space<semaphore_mem>> -> memref<1x!tpu.dma_semaphore, #tpu.memory_space<semaphore_mem>>
    %dma_wait3A_39 = tpu.memref_squeeze %dma_wait3A_38 : memref<1x!tpu.dma_semaphore, #tpu.memory_space<semaphore_mem>> -> memref<!tpu.dma_semaphore, #tpu.memory_space<semaphore_mem>>
    tpu.wait_indirect_dma semaphore(%dma_wait3A_39 : memref<!tpu.dma_semaphore, #tpu.memory_space<semaphore_mem>>) src(%dma_wait3A_37 : memref<1000000x64xf32, #tpu.memory_space<hbm>>) dst(%dma_wait3A_32 : memref<800x64xf32, #tpu.memory_space<vmem>>)
    %add3A_40 = arith.constant 0 : i32
    %add3A_41 = arith.addi %mul3A_2, %add3A_40 : i32
    %dma_start3A_42 = arith.constant 0 : i32
    %dma_start3A_43 = arith.constant 0 : i32
    %dma_start3A_44 = arith.constant 0 : i32
    %dma_start3A_45 = arith.constant 0 : i32
    %dma_start3A_46 = tpu.memref_slice %arg6[%dma_start3A_42, %dma_start3A_44, %dma_start3A_45] : memref<2x800x64xf32, #tpu.memory_space<vmem>> -> memref<1x800x64xf32, #tpu.memory_space<vmem>>
    %dma_start3A_47 = tpu.memref_squeeze %dma_start3A_46 : memref<1x800x64xf32, #tpu.memory_space<vmem>> -> memref<800x64xf32, #tpu.memory_space<vmem>>
    %dma_start3A_48 = arith.constant 0 : i32
    %dma_start3A_49 = tpu.memref_slice %arg4[%add3A_41, %dma_start3A_48] : memref<204800x64xf32, #tpu.memory_space<hbm>> -> memref<800x64xf32, #tpu.memory_space<hbm>>
    %dma_start3A_50 = tpu.memref_slice %arg8[%dma_start3A_43] : memref<2x!tpu.dma_semaphore, #tpu.memory_space<semaphore_mem>> -> memref<1x!tpu.dma_semaphore, #tpu.memory_space<semaphore_mem>>
    %dma_start3A_51 = tpu.memref_squeeze %dma_start3A_50 : memref<1x!tpu.dma_semaphore, #tpu.memory_space<semaphore_mem>> -> memref<!tpu.dma_semaphore, #tpu.memory_space<semaphore_mem>>
    %dma_start3A_52 = arith.constant 0 : i32
    %dma_start3A_53 = tpu.memref_slice %arg4[%add3A_41, %dma_start3A_52] : memref<204800x64xf32, #tpu.memory_space<hbm>> -> memref<800x64xf32, #tpu.memory_space<hbm>>
    %dma_start3A_54 = arith.constant 0 : i32
    %dma_start3A_55 = arith.constant 0 : i32
    %dma_start3A_56 = tpu.memref_slice %arg6[%dma_start3A_42, %dma_start3A_54, %dma_start3A_55] : memref<2x800x64xf32, #tpu.memory_space<vmem>> -> memref<1x800x64xf32, #tpu.memory_space<vmem>>
    %dma_start3A_57 = tpu.memref_squeeze %dma_start3A_56 : memref<1x800x64xf32, #tpu.memory_space<vmem>> -> memref<800x64xf32, #tpu.memory_space<vmem>>
    tpu.enqueue_dma source(%dma_start3A_57 : memref<800x64xf32, #tpu.memory_space<vmem>>) target(%dma_start3A_53 : memref<800x64xf32, #tpu.memory_space<hbm>>) target_semaphore(%dma_start3A_51 : memref<!tpu.dma_semaphore, #tpu.memory_space<semaphore_mem>>)
    %dma_wait3A_58 = arith.constant 0 : i32
    %dma_wait3A_59 = arith.constant 0 : i32
    %dma_wait3A_60 = arith.constant 0 : i32
    %dma_wait3A_61 = arith.constant 0 : i32
    %dma_wait3A_62 = tpu.memref_slice %arg6[%dma_wait3A_58, %dma_wait3A_60, %dma_wait3A_61] : memref<2x800x64xf32, #tpu.memory_space<vmem>> -> memref<1x800x64xf32, #tpu.memory_space<vmem>>
    %dma_wait3A_63 = tpu.memref_squeeze %dma_wait3A_62 : memref<1x800x64xf32, #tpu.memory_space<vmem>> -> memref<800x64xf32, #tpu.memory_space<vmem>>
    %dma_wait3A_64 = arith.constant 0 : i32
    %dma_wait3A_65 = arith.constant 0 : i32
    %dma_wait3A_66 = tpu.memref_slice %arg4[%dma_wait3A_64, %dma_wait3A_65] : memref<204800x64xf32, #tpu.memory_space<hbm>> -> memref<800x64xf32, #tpu.memory_space<hbm>>
    %dma_wait3A_67 = tpu.memref_slice %arg8[%dma_wait3A_59] : memref<2x!tpu.dma_semaphore, #tpu.memory_space<semaphore_mem>> -> memref<1x!tpu.dma_semaphore, #tpu.memory_space<semaphore_mem>>
    %dma_wait3A_68 = tpu.memref_squeeze %dma_wait3A_67 : memref<1x!tpu.dma_semaphore, #tpu.memory_space<semaphore_mem>> -> memref<!tpu.dma_semaphore, #tpu.memory_space<semaphore_mem>>
    %dma_wait3A_69 = arith.constant 0 : i32
    %dma_wait3A_70 = arith.constant 0 : i32
    %dma_wait3A_71 = tpu.memref_slice %arg4[%dma_wait3A_69, %dma_wait3A_70] : memref<204800x64xf32, #tpu.memory_space<hbm>> -> memref<800x64xf32, #tpu.memory_space<hbm>>
    %dma_wait3A_72 = arith.constant 0 : i32
    %dma_wait3A_73 = arith.constant 0 : i32
    %dma_wait3A_74 = tpu.memref_slice %arg6[%dma_wait3A_58, %dma_wait3A_72, %dma_wait3A_73] : memref<2x800x64xf32, #tpu.memory_space<vmem>> -> memref<1x800x64xf32, #tpu.memory_space<vmem>>
    %dma_wait3A_75 = tpu.memref_squeeze %dma_wait3A_74 : memref<1x800x64xf32, #tpu.memory_space<vmem>> -> memref<800x64xf32, #tpu.memory_space<vmem>>
    tpu.wait_dma2 semaphore(%dma_wait3A_68 : memref<!tpu.dma_semaphore, #tpu.memory_space<semaphore_mem>>) src(%dma_wait3A_75 : memref<800x64xf32, #tpu.memory_space<vmem>>) dst(%dma_wait3A_71 : memref<800x64xf32, #tpu.memory_space<hbm>>)
    %dma_start3A_76 = arith.constant 0 : i32
    %dma_start3A_77 = arith.constant 0 : i32
    %dma_start3A_78 = arith.constant 0 : i32
    %dma_start3A_79 = arith.constant 0 : i32
    %dma_start3A_80 = tpu.memref_slice %arg6[%dma_start3A_76, %dma_start3A_78, %dma_start3A_79] : memref<2x800x64xf32, #tpu.memory_space<vmem>> -> memref<1x800x64xf32, #tpu.memory_space<vmem>>
    %dma_start3A_81 = tpu.memref_squeeze %dma_start3A_80 : memref<1x800x64xf32, #tpu.memory_space<vmem>> -> memref<800x64xf32, #tpu.memory_space<vmem>>
    %dma_start3A_82 = arith.constant 1600 : i32
    %dma_start3A_83 = tpu.memref_slice %arg5[%dma_start3A_82] : memref<6400xi32, #tpu.memory_space<vmem>> -> memref<800xi32, #tpu.memory_space<vmem>>
    %dma_start3A_84 = arith.constant 0 : i32
    %dma_start3A_85 = arith.constant 0 : i32
    %dma_start3A_86 = tpu.memref_slice %arg2[%dma_start3A_84, %dma_start3A_85] : memref<1000000x64xf32, #tpu.memory_space<hbm>> -> memref<1000000x64xf32, #tpu.memory_space<hbm>>
    %dma_start3A_87 = tpu.memref_slice %arg7[%dma_start3A_77] : memref<2x!tpu.dma_semaphore, #tpu.memory_space<semaphore_mem>> -> memref<1x!tpu.dma_semaphore, #tpu.memory_space<semaphore_mem>>
    %dma_start3A_88 = tpu.memref_squeeze %dma_start3A_87 : memref<1x!tpu.dma_semaphore, #tpu.memory_space<semaphore_mem>> -> memref<!tpu.dma_semaphore, #tpu.memory_space<semaphore_mem>>
    tpu.enqueue_indirect_dma source(%dma_start3A_86 : memref<1000000x64xf32, #tpu.memory_space<hbm>>) target(%dma_start3A_81 : memref<800x64xf32, #tpu.memory_space<vmem>>) offsets(%dma_start3A_83 : memref<800xi32, #tpu.memory_space<vmem>>) semaphore(%dma_start3A_88 : memref<!tpu.dma_semaphore, #tpu.memory_space<semaphore_mem>>)
    %dma_wait3A_89 = arith.constant 1 : i32
    %dma_wait3A_90 = arith.constant 1 : i32
    %dma_wait3A_91 = arith.constant 0 : i32
    %dma_wait3A_92 = arith.constant 0 : i32
    %dma_wait3A_93 = tpu.memref_slice %arg6[%dma_wait3A_89, %dma_wait3A_91, %dma_wait3A_92] : memref<2x800x64xf32, #tpu.memory_space<vmem>> -> memref<1x800x64xf32, #tpu.memory_space<vmem>>
    %dma_wait3A_94 = tpu.memref_squeeze %dma_wait3A_93 : memref<1x800x64xf32, #tpu.memory_space<vmem>> -> memref<800x64xf32, #tpu.memory_space<vmem>>
    %dma_wait3A_95 = arith.constant 800 : i32
    %dma_wait3A_96 = tpu.memref_slice %arg5[%dma_wait3A_95] : memref<6400xi32, #tpu.memory_space<vmem>> -> memref<800xi32, #tpu.memory_space<vmem>>
    %dma_wait3A_97 = arith.constant 0 : i32
    %dma_wait3A_98 = arith.constant 0 : i32
    %dma_wait3A_99 = tpu.memref_slice %arg2[%dma_wait3A_97, %dma_wait3A_98] : memref<1000000x64xf32, #tpu.memory_space<hbm>> -> memref<1000000x64xf32, #tpu.memory_space<hbm>>
    %dma_wait3A_100 = tpu.memref_slice %arg7[%dma_wait3A_90] : memref<2x!tpu.dma_semaphore, #tpu.memory_space<semaphore_mem>> -> memref<1x!tpu.dma_semaphore, #tpu.memory_space<semaphore_mem>>
    %dma_wait3A_101 = tpu.memref_squeeze %dma_wait3A_100 : memref<1x!tpu.dma_semaphore, #tpu.memory_space<semaphore_mem>> -> memref<!tpu.dma_semaphore, #tpu.memory_space<semaphore_mem>>
    tpu.wait_indirect_dma semaphore(%dma_wait3A_101 : memref<!tpu.dma_semaphore, #tpu.memory_space<semaphore_mem>>) src(%dma_wait3A_99 : memref<1000000x64xf32, #tpu.memory_space<hbm>>) dst(%dma_wait3A_94 : memref<800x64xf32, #tpu.memory_space<vmem>>)
    %add3A_102 = arith.constant 800 : i32
    %add3A_103 = arith.addi %mul3A_2, %add3A_102 : i32
    %dma_start3A_104 = arith.constant 1 : i32
    %dma_start3A_105 = arith.constant 1 : i32
    %dma_start3A_106 = arith.constant 0 : i32
    %dma_start3A_107 = arith.constant 0 : i32
    %dma_start3A_108 = tpu.memref_slice %arg6[%dma_start3A_104, %dma_start3A_106, %dma_start3A_107] : memref<2x800x64xf32, #tpu.memory_space<vmem>> -> memref<1x800x64xf32, #tpu.memory_space<vmem>>
    %dma_start3A_109 = tpu.memref_squeeze %dma_start3A_108 : memref<1x800x64xf32, #tpu.memory_space<vmem>> -> memref<800x64xf32, #tpu.memory_space<vmem>>
    %dma_start3A_110 = arith.constant 0 : i32
    %dma_start3A_111 = tpu.memref_slice %arg4[%add3A_103, %dma_start3A_110] : memref<204800x64xf32, #tpu.memory_space<hbm>> -> memref<800x64xf32, #tpu.memory_space<hbm>>
    %dma_start3A_112 = tpu.memref_slice %arg8[%dma_start3A_105] : memref<2x!tpu.dma_semaphore, #tpu.memory_space<semaphore_mem>> -> memref<1x!tpu.dma_semaphore, #tpu.memory_space<semaphore_mem>>
    %dma_start3A_113 = tpu.memref_squeeze %dma_start3A_112 : memref<1x!tpu.dma_semaphore, #tpu.memory_space<semaphore_mem>> -> memref<!tpu.dma_semaphore, #tpu.memory_space<semaphore_mem>>
    %dma_start3A_114 = arith.constant 0 : i32
    %dma_start3A_115 = tpu.memref_slice %arg4[%add3A_103, %dma_start3A_114] : memref<204800x64xf32, #tpu.memory_space<hbm>> -> memref<800x64xf32, #tpu.memory_space<hbm>>
    %dma_start3A_116 = arith.constant 0 : i32
    %dma_start3A_117 = arith.constant 0 : i32
    %dma_start3A_118 = tpu.memref_slice %arg6[%dma_start3A_104, %dma_start3A_116, %dma_start3A_117] : memref<2x800x64xf32, #tpu.memory_space<vmem>> -> memref<1x800x64xf32, #tpu.memory_space<vmem>>
    %dma_start3A_119 = tpu.memref_squeeze %dma_start3A_118 : memref<1x800x64xf32, #tpu.memory_space<vmem>> -> memref<800x64xf32, #tpu.memory_space<vmem>>
    tpu.enqueue_dma source(%dma_start3A_119 : memref<800x64xf32, #tpu.memory_space<vmem>>) target(%dma_start3A_115 : memref<800x64xf32, #tpu.memory_space<hbm>>) target_semaphore(%dma_start3A_113 : memref<!tpu.dma_semaphore, #tpu.memory_space<semaphore_mem>>)
    %dma_wait3A_120 = arith.constant 1 : i32
    %dma_wait3A_121 = arith.constant 1 : i32
    %dma_wait3A_122 = arith.constant 0 : i32
    %dma_wait3A_123 = arith.constant 0 : i32
    %dma_wait3A_124 = tpu.memref_slice %arg6[%dma_wait3A_120, %dma_wait3A_122, %dma_wait3A_123] : memref<2x800x64xf32, #tpu.memory_space<vmem>> -> memref<1x800x64xf32, #tpu.memory_space<vmem>>
    %dma_wait3A_125 = tpu.memref_squeeze %dma_wait3A_124 : memref<1x800x64xf32, #tpu.memory_space<vmem>> -> memref<800x64xf32, #tpu.memory_space<vmem>>
    %dma_wait3A_126 = arith.constant 0 : i32
    %dma_wait3A_127 = arith.constant 0 : i32
    %dma_wait3A_128 = tpu.memref_slice %arg4[%dma_wait3A_126, %dma_wait3A_127] : memref<204800x64xf32, #tpu.memory_space<hbm>> -> memref<800x64xf32, #tpu.memory_space<hbm>>
    %dma_wait3A_129 = tpu.memref_slice %arg8[%dma_wait3A_121] : memref<2x!tpu.dma_semaphore, #tpu.memory_space<semaphore_mem>> -> memref<1x!tpu.dma_semaphore, #tpu.memory_space<semaphore_mem>>
    %dma_wait3A_130 = tpu.memref_squeeze %dma_wait3A_129 : memref<1x!tpu.dma_semaphore, #tpu.memory_space<semaphore_mem>> -> memref<!tpu.dma_semaphore, #tpu.memory_space<semaphore_mem>>
    %dma_wait3A_131 = arith.constant 0 : i32
    %dma_wait3A_132 = arith.constant 0 : i32
    %dma_wait3A_133 = tpu.memref_slice %arg4[%dma_wait3A_131, %dma_wait3A_132] : memref<204800x64xf32, #tpu.memory_space<hbm>> -> memref<800x64xf32, #tpu.memory_space<hbm>>
    %dma_wait3A_134 = arith.constant 0 : i32
    %dma_wait3A_135 = arith.constant 0 : i32
    %dma_wait3A_136 = tpu.memref_slice %arg6[%dma_wait3A_120, %dma_wait3A_134, %dma_wait3A_135] : memref<2x800x64xf32, #tpu.memory_space<vmem>> -> memref<1x800x64xf32, #tpu.memory_space<vmem>>
    %dma_wait3A_137 = tpu.memref_squeeze %dma_wait3A_136 : memref<1x800x64xf32, #tpu.memory_space<vmem>> -> memref<800x64xf32, #tpu.memory_space<vmem>>
    tpu.wait_dma2 semaphore(%dma_wait3A_130 : memref<!tpu.dma_semaphore, #tpu.memory_space<semaphore_mem>>) src(%dma_wait3A_137 : memref<800x64xf32, #tpu.memory_space<vmem>>) dst(%dma_wait3A_133 : memref<800x64xf32, #tpu.memory_space<hbm>>)
    %dma_start3A_138 = arith.constant 1 : i32
    %dma_start3A_139 = arith.constant 1 : i32
    %dma_start3A_140 = arith.constant 0 : i32
    %dma_start3A_141 = arith.constant 0 : i32
    %dma_start3A_142 = tpu.memref_slice %arg6[%dma_start3A_138, %dma_start3A_140, %dma_start3A_141] : memref<2x800x64xf32, #tpu.memory_space<vmem>> -> memref<1x800x64xf32, #tpu.memory_space<vmem>>
    %dma_start3A_143 = tpu.memref_squeeze %dma_start3A_142 : memref<1x800x64xf32, #tpu.memory_space<vmem>> -> memref<800x64xf32, #tpu.memory_space<vmem>>
    %dma_start3A_144 = arith.constant 2400 : i32
    %dma_start3A_145 = tpu.memref_slice %arg5[%dma_start3A_144] : memref<6400xi32, #tpu.memory_space<vmem>> -> memref<800xi32, #tpu.memory_space<vmem>>
    %dma_start3A_146 = arith.constant 0 : i32
    %dma_start3A_147 = arith.constant 0 : i32
    %dma_start3A_148 = tpu.memref_slice %arg2[%dma_start3A_146, %dma_start3A_147] : memref<1000000x64xf32, #tpu.memory_space<hbm>> -> memref<1000000x64xf32, #tpu.memory_space<hbm>>
    %dma_start3A_149 = tpu.memref_slice %arg7[%dma_start3A_139] : memref<2x!tpu.dma_semaphore, #tpu.memory_space<semaphore_mem>> -> memref<1x!tpu.dma_semaphore, #tpu.memory_space<semaphore_mem>>
    %dma_start3A_150 = tpu.memref_squeeze %dma_start3A_149 : memref<1x!tpu.dma_semaphore, #tpu.memory_space<semaphore_mem>> -> memref<!tpu.dma_semaphore, #tpu.memory_space<semaphore_mem>>
    tpu.enqueue_indirect_dma source(%dma_start3A_148 : memref<1000000x64xf32, #tpu.memory_space<hbm>>) target(%dma_start3A_143 : memref<800x64xf32, #tpu.memory_space<vmem>>) offsets(%dma_start3A_145 : memref<800xi32, #tpu.memory_space<vmem>>) semaphore(%dma_start3A_150 : memref<!tpu.dma_semaphore, #tpu.memory_space<semaphore_mem>>)
    %dma_wait3A_151 = arith.constant 0 : i32
    %dma_wait3A_152 = arith.constant 0 : i32
    %dma_wait3A_153 = arith.constant 0 : i32
    %dma_wait3A_154 = arith.constant 0 : i32
    %dma_wait3A_155 = tpu.memref_slice %arg6[%dma_wait3A_151, %dma_wait3A_153, %dma_wait3A_154] : memref<2x800x64xf32, #tpu.memory_space<vmem>> -> memref<1x800x64xf32, #tpu.memory_space<vmem>>
    %dma_wait3A_156 = tpu.memref_squeeze %dma_wait3A_155 : memref<1x800x64xf32, #tpu.memory_space<vmem>> -> memref<800x64xf32, #tpu.memory_space<vmem>>
    %dma_wait3A_157 = arith.constant 1600 : i32
    %dma_wait3A_158 = tpu.memref_slice %arg5[%dma_wait3A_157] : memref<6400xi32, #tpu.memory_space<vmem>> -> memref<800xi32, #tpu.memory_space<vmem>>
    %dma_wait3A_159 = arith.constant 0 : i32
    %dma_wait3A_160 = arith.constant 0 : i32
    %dma_wait3A_161 = tpu.memref_slice %arg2[%dma_wait3A_159, %dma_wait3A_160] : memref<1000000x64xf32, #tpu.memory_space<hbm>> -> memref<1000000x64xf32, #tpu.memory_space<hbm>>
    %dma_wait3A_162 = tpu.memref_slice %arg7[%dma_wait3A_152] : memref<2x!tpu.dma_semaphore, #tpu.memory_space<semaphore_mem>> -> memref<1x!tpu.dma_semaphore, #tpu.memory_space<semaphore_mem>>
    %dma_wait3A_163 = tpu.memref_squeeze %dma_wait3A_162 : memref<1x!tpu.dma_semaphore, #tpu.memory_space<semaphore_mem>> -> memref<!tpu.dma_semaphore, #tpu.memory_space<semaphore_mem>>
    tpu.wait_indirect_dma semaphore(%dma_wait3A_163 : memref<!tpu.dma_semaphore, #tpu.memory_space<semaphore_mem>>) src(%dma_wait3A_161 : memref<1000000x64xf32, #tpu.memory_space<hbm>>) dst(%dma_wait3A_156 : memref<800x64xf32, #tpu.memory_space<vmem>>)
    %add3A_164 = arith.constant 1600 : i32
    %add3A_165 = arith.addi %mul3A_2, %add3A_164 : i32
    %dma_start3A_166 = arith.constant 0 : i32
    %dma_start3A_167 = arith.constant 0 : i32
    %dma_start3A_168 = arith.constant 0 : i32
    %dma_start3A_169 = arith.constant 0 : i32
    %dma_start3A_170 = tpu.memref_slice %arg6[%dma_start3A_166, %dma_start3A_168, %dma_start3A_169] : memref<2x800x64xf32, #tpu.memory_space<vmem>> -> memref<1x800x64xf32, #tpu.memory_space<vmem>>
    %dma_start3A_171 = tpu.memref_squeeze %dma_start3A_170 : memref<1x800x64xf32, #tpu.memory_space<vmem>> -> memref<800x64xf32, #tpu.memory_space<vmem>>
    %dma_start3A_172 = arith.constant 0 : i32
    %dma_start3A_173 = tpu.memref_slice %arg4[%add3A_165, %dma_start3A_172] : memref<204800x64xf32, #tpu.memory_space<hbm>> -> memref<800x64xf32, #tpu.memory_space<hbm>>
    %dma_start3A_174 = tpu.memref_slice %arg8[%dma_start3A_167] : memref<2x!tpu.dma_semaphore, #tpu.memory_space<semaphore_mem>> -> memref<1x!tpu.dma_semaphore, #tpu.memory_space<semaphore_mem>>
    %dma_start3A_175 = tpu.memref_squeeze %dma_start3A_174 : memref<1x!tpu.dma_semaphore, #tpu.memory_space<semaphore_mem>> -> memref<!tpu.dma_semaphore, #tpu.memory_space<semaphore_mem>>
    %dma_start3A_176 = arith.constant 0 : i32
    %dma_start3A_177 = tpu.memref_slice %arg4[%add3A_165, %dma_start3A_176] : memref<204800x64xf32, #tpu.memory_space<hbm>> -> memref<800x64xf32, #tpu.memory_space<hbm>>
    %dma_start3A_178 = arith.constant 0 : i32
    %dma_start3A_179 = arith.constant 0 : i32
    %dma_start3A_180 = tpu.memref_slice %arg6[%dma_start3A_166, %dma_start3A_178, %dma_start3A_179] : memref<2x800x64xf32, #tpu.memory_space<vmem>> -> memref<1x800x64xf32, #tpu.memory_space<vmem>>
    %dma_start3A_181 = tpu.memref_squeeze %dma_start3A_180 : memref<1x800x64xf32, #tpu.memory_space<vmem>> -> memref<800x64xf32, #tpu.memory_space<vmem>>
    tpu.enqueue_dma source(%dma_start3A_181 : memref<800x64xf32, #tpu.memory_space<vmem>>) target(%dma_start3A_177 : memref<800x64xf32, #tpu.memory_space<hbm>>) target_semaphore(%dma_start3A_175 : memref<!tpu.dma_semaphore, #tpu.memory_space<semaphore_mem>>)
    %dma_wait3A_182 = arith.constant 0 : i32
    %dma_wait3A_183 = arith.constant 0 : i32
    %dma_wait3A_184 = arith.constant 0 : i32
    %dma_wait3A_185 = arith.constant 0 : i32
    %dma_wait3A_186 = tpu.memref_slice %arg6[%dma_wait3A_182, %dma_wait3A_184, %dma_wait3A_185] : memref<2x800x64xf32, #tpu.memory_space<vmem>> -> memref<1x800x64xf32, #tpu.memory_space<vmem>>
    %dma_wait3A_187 = tpu.memref_squeeze %dma_wait3A_186 : memref<1x800x64xf32, #tpu.memory_space<vmem>> -> memref<800x64xf32, #tpu.memory_space<vmem>>
    %dma_wait3A_188 = arith.constant 0 : i32
    %dma_wait3A_189 = arith.constant 0 : i32
    %dma_wait3A_190 = tpu.memref_slice %arg4[%dma_wait3A_188, %dma_wait3A_189] : memref<204800x64xf32, #tpu.memory_space<hbm>> -> memref<800x64xf32, #tpu.memory_space<hbm>>
    %dma_wait3A_191 = tpu.memref_slice %arg8[%dma_wait3A_183] : memref<2x!tpu.dma_semaphore, #tpu.memory_space<semaphore_mem>> -> memref<1x!tpu.dma_semaphore, #tpu.memory_space<semaphore_mem>>
    %dma_wait3A_192 = tpu.memref_squeeze %dma_wait3A_191 : memref<1x!tpu.dma_semaphore, #tpu.memory_space<semaphore_mem>> -> memref<!tpu.dma_semaphore, #tpu.memory_space<semaphore_mem>>
    %dma_wait3A_193 = arith.constant 0 : i32
    %dma_wait3A_194 = arith.constant 0 : i32
    %dma_wait3A_195 = tpu.memref_slice %arg4[%dma_wait3A_193, %dma_wait3A_194] : memref<204800x64xf32, #tpu.memory_space<hbm>> -> memref<800x64xf32, #tpu.memory_space<hbm>>
    %dma_wait3A_196 = arith.constant 0 : i32
    %dma_wait3A_197 = arith.constant 0 : i32
    %dma_wait3A_198 = tpu.memref_slice %arg6[%dma_wait3A_182, %dma_wait3A_196, %dma_wait3A_197] : memref<2x800x64xf32, #tpu.memory_space<vmem>> -> memref<1x800x64xf32, #tpu.memory_space<vmem>>
    %dma_wait3A_199 = tpu.memref_squeeze %dma_wait3A_198 : memref<1x800x64xf32, #tpu.memory_space<vmem>> -> memref<800x64xf32, #tpu.memory_space<vmem>>
    tpu.wait_dma2 semaphore(%dma_wait3A_192 : memref<!tpu.dma_semaphore, #tpu.memory_space<semaphore_mem>>) src(%dma_wait3A_199 : memref<800x64xf32, #tpu.memory_space<vmem>>) dst(%dma_wait3A_195 : memref<800x64xf32, #tpu.memory_space<hbm>>)
    %dma_start3A_200 = arith.constant 0 : i32
    %dma_start3A_201 = arith.constant 0 : i32
    %dma_start3A_202 = arith.constant 0 : i32
    %dma_start3A_203 = arith.constant 0 : i32
    %dma_start3A_204 = tpu.memref_slice %arg6[%dma_start3A_200, %dma_start3A_202, %dma_start3A_203] : memref<2x800x64xf32, #tpu.memory_space<vmem>> -> memref<1x800x64xf32, #tpu.memory_space<vmem>>
    %dma_start3A_205 = tpu.memref_squeeze %dma_start3A_204 : memref<1x800x64xf32, #tpu.memory_space<vmem>> -> memref<800x64xf32, #tpu.memory_space<vmem>>
    %dma_start3A_206 = arith.constant 3200 : i32
    %dma_start3A_207 = tpu.memref_slice %arg5[%dma_start3A_206] : memref<6400xi32, #tpu.memory_space<vmem>> -> memref<800xi32, #tpu.memory_space<vmem>>
    %dma_start3A_208 = arith.constant 0 : i32
    %dma_start3A_209 = arith.constant 0 : i32
    %dma_start3A_210 = tpu.memref_slice %arg2[%dma_start3A_208, %dma_start3A_209] : memref<1000000x64xf32, #tpu.memory_space<hbm>> -> memref<1000000x64xf32, #tpu.memory_space<hbm>>
    %dma_start3A_211 = tpu.memref_slice %arg7[%dma_start3A_201] : memref<2x!tpu.dma_semaphore, #tpu.memory_space<semaphore_mem>> -> memref<1x!tpu.dma_semaphore, #tpu.memory_space<semaphore_mem>>
    %dma_start3A_212 = tpu.memref_squeeze %dma_start3A_211 : memref<1x!tpu.dma_semaphore, #tpu.memory_space<semaphore_mem>> -> memref<!tpu.dma_semaphore, #tpu.memory_space<semaphore_mem>>
    tpu.enqueue_indirect_dma source(%dma_start3A_210 : memref<1000000x64xf32, #tpu.memory_space<hbm>>) target(%dma_start3A_205 : memref<800x64xf32, #tpu.memory_space<vmem>>) offsets(%dma_start3A_207 : memref<800xi32, #tpu.memory_space<vmem>>) semaphore(%dma_start3A_212 : memref<!tpu.dma_semaphore, #tpu.memory_space<semaphore_mem>>)
    %dma_wait3A_213 = arith.constant 1 : i32
    %dma_wait3A_214 = arith.constant 1 : i32
    %dma_wait3A_215 = arith.constant 0 : i32
    %dma_wait3A_216 = arith.constant 0 : i32
    %dma_wait3A_217 = tpu.memref_slice %arg6[%dma_wait3A_213, %dma_wait3A_215, %dma_wait3A_216] : memref<2x800x64xf32, #tpu.memory_space<vmem>> -> memref<1x800x64xf32, #tpu.memory_space<vmem>>
    %dma_wait3A_218 = tpu.memref_squeeze %dma_wait3A_217 : memref<1x800x64xf32, #tpu.memory_space<vmem>> -> memref<800x64xf32, #tpu.memory_space<vmem>>
    %dma_wait3A_219 = arith.constant 2400 : i32
    %dma_wait3A_220 = tpu.memref_slice %arg5[%dma_wait3A_219] : memref<6400xi32, #tpu.memory_space<vmem>> -> memref<800xi32, #tpu.memory_space<vmem>>
    %dma_wait3A_221 = arith.constant 0 : i32
    %dma_wait3A_222 = arith.constant 0 : i32
    %dma_wait3A_223 = tpu.memref_slice %arg2[%dma_wait3A_221, %dma_wait3A_222] : memref<1000000x64xf32, #tpu.memory_space<hbm>> -> memref<1000000x64xf32, #tpu.memory_space<hbm>>
    %dma_wait3A_224 = tpu.memref_slice %arg7[%dma_wait3A_214] : memref<2x!tpu.dma_semaphore, #tpu.memory_space<semaphore_mem>> -> memref<1x!tpu.dma_semaphore, #tpu.memory_space<semaphore_mem>>
    %dma_wait3A_225 = tpu.memref_squeeze %dma_wait3A_224 : memref<1x!tpu.dma_semaphore, #tpu.memory_space<semaphore_mem>> -> memref<!tpu.dma_semaphore, #tpu.memory_space<semaphore_mem>>
    tpu.wait_indirect_dma semaphore(%dma_wait3A_225 : memref<!tpu.dma_semaphore, #tpu.memory_space<semaphore_mem>>) src(%dma_wait3A_223 : memref<1000000x64xf32, #tpu.memory_space<hbm>>) dst(%dma_wait3A_218 : memref<800x64xf32, #tpu.memory_space<vmem>>)
    %add3A_226 = arith.constant 2400 : i32
    %add3A_227 = arith.addi %mul3A_2, %add3A_226 : i32
    %dma_start3A_228 = arith.constant 1 : i32
    %dma_start3A_229 = arith.constant 1 : i32
    %dma_start3A_230 = arith.constant 0 : i32
    %dma_start3A_231 = arith.constant 0 : i32
    %dma_start3A_232 = tpu.memref_slice %arg6[%dma_start3A_228, %dma_start3A_230, %dma_start3A_231] : memref<2x800x64xf32, #tpu.memory_space<vmem>> -> memref<1x800x64xf32, #tpu.memory_space<vmem>>
    %dma_start3A_233 = tpu.memref_squeeze %dma_start3A_232 : memref<1x800x64xf32, #tpu.memory_space<vmem>> -> memref<800x64xf32, #tpu.memory_space<vmem>>
    %dma_start3A_234 = arith.constant 0 : i32
    %dma_start3A_235 = tpu.memref_slice %arg4[%add3A_227, %dma_start3A_234] : memref<204800x64xf32, #tpu.memory_space<hbm>> -> memref<800x64xf32, #tpu.memory_space<hbm>>
    %dma_start3A_236 = tpu.memref_slice %arg8[%dma_start3A_229] : memref<2x!tpu.dma_semaphore, #tpu.memory_space<semaphore_mem>> -> memref<1x!tpu.dma_semaphore, #tpu.memory_space<semaphore_mem>>
    %dma_start3A_237 = tpu.memref_squeeze %dma_start3A_236 : memref<1x!tpu.dma_semaphore, #tpu.memory_space<semaphore_mem>> -> memref<!tpu.dma_semaphore, #tpu.memory_space<semaphore_mem>>
    %dma_start3A_238 = arith.constant 0 : i32
    %dma_start3A_239 = tpu.memref_slice %arg4[%add3A_227, %dma_start3A_238] : memref<204800x64xf32, #tpu.memory_space<hbm>> -> memref<800x64xf32, #tpu.memory_space<hbm>>
    %dma_start3A_240 = arith.constant 0 : i32
    %dma_start3A_241 = arith.constant 0 : i32
    %dma_start3A_242 = tpu.memref_slice %arg6[%dma_start3A_228, %dma_start3A_240, %dma_start3A_241] : memref<2x800x64xf32, #tpu.memory_space<vmem>> -> memref<1x800x64xf32, #tpu.memory_space<vmem>>
    %dma_start3A_243 = tpu.memref_squeeze %dma_start3A_242 : memref<1x800x64xf32, #tpu.memory_space<vmem>> -> memref<800x64xf32, #tpu.memory_space<vmem>>
    tpu.enqueue_dma source(%dma_start3A_243 : memref<800x64xf32, #tpu.memory_space<vmem>>) target(%dma_start3A_239 : memref<800x64xf32, #tpu.memory_space<hbm>>) target_semaphore(%dma_start3A_237 : memref<!tpu.dma_semaphore, #tpu.memory_space<semaphore_mem>>)
    %dma_wait3A_244 = arith.constant 1 : i32
    %dma_wait3A_245 = arith.constant 1 : i32
    %dma_wait3A_246 = arith.constant 0 : i32
    %dma_wait3A_247 = arith.constant 0 : i32
    %dma_wait3A_248 = tpu.memref_slice %arg6[%dma_wait3A_244, %dma_wait3A_246, %dma_wait3A_247] : memref<2x800x64xf32, #tpu.memory_space<vmem>> -> memref<1x800x64xf32, #tpu.memory_space<vmem>>
    %dma_wait3A_249 = tpu.memref_squeeze %dma_wait3A_248 : memref<1x800x64xf32, #tpu.memory_space<vmem>> -> memref<800x64xf32, #tpu.memory_space<vmem>>
    %dma_wait3A_250 = arith.constant 0 : i32
    %dma_wait3A_251 = arith.constant 0 : i32
    %dma_wait3A_252 = tpu.memref_slice %arg4[%dma_wait3A_250, %dma_wait3A_251] : memref<204800x64xf32, #tpu.memory_space<hbm>> -> memref<800x64xf32, #tpu.memory_space<hbm>>
    %dma_wait3A_253 = tpu.memref_slice %arg8[%dma_wait3A_245] : memref<2x!tpu.dma_semaphore, #tpu.memory_space<semaphore_mem>> -> memref<1x!tpu.dma_semaphore, #tpu.memory_space<semaphore_mem>>
    %dma_wait3A_254 = tpu.memref_squeeze %dma_wait3A_253 : memref<1x!tpu.dma_semaphore, #tpu.memory_space<semaphore_mem>> -> memref<!tpu.dma_semaphore, #tpu.memory_space<semaphore_mem>>
    %dma_wait3A_255 = arith.constant 0 : i32
    %dma_wait3A_256 = arith.constant 0 : i32
    %dma_wait3A_257 = tpu.memref_slice %arg4[%dma_wait3A_255, %dma_wait3A_256] : memref<204800x64xf32, #tpu.memory_space<hbm>> -> memref<800x64xf32, #tpu.memory_space<hbm>>
    %dma_wait3A_258 = arith.constant 0 : i32
    %dma_wait3A_259 = arith.constant 0 : i32
    %dma_wait3A_260 = tpu.memref_slice %arg6[%dma_wait3A_244, %dma_wait3A_258, %dma_wait3A_259] : memref<2x800x64xf32, #tpu.memory_space<vmem>> -> memref<1x800x64xf32, #tpu.memory_space<vmem>>
    %dma_wait3A_261 = tpu.memref_squeeze %dma_wait3A_260 : memref<1x800x64xf32, #tpu.memory_space<vmem>> -> memref<800x64xf32, #tpu.memory_space<vmem>>
    tpu.wait_dma2 semaphore(%dma_wait3A_254 : memref<!tpu.dma_semaphore, #tpu.memory_space<semaphore_mem>>) src(%dma_wait3A_261 : memref<800x64xf32, #tpu.memory_space<vmem>>) dst(%dma_wait3A_257 : memref<800x64xf32, #tpu.memory_space<hbm>>)
    %dma_start3A_262 = arith.constant 1 : i32
    %dma_start3A_263 = arith.constant 1 : i32
    %dma_start3A_264 = arith.constant 0 : i32
    %dma_start3A_265 = arith.constant 0 : i32
    %dma_start3A_266 = tpu.memref_slice %arg6[%dma_start3A_262, %dma_start3A_264, %dma_start3A_265] : memref<2x800x64xf32, #tpu.memory_space<vmem>> -> memref<1x800x64xf32, #tpu.memory_space<vmem>>
    %dma_start3A_267 = tpu.memref_squeeze %dma_start3A_266 : memref<1x800x64xf32, #tpu.memory_space<vmem>> -> memref<800x64xf32, #tpu.memory_space<vmem>>
    %dma_start3A_268 = arith.constant 4000 : i32
    %dma_start3A_269 = tpu.memref_slice %arg5[%dma_start3A_268] : memref<6400xi32, #tpu.memory_space<vmem>> -> memref<800xi32, #tpu.memory_space<vmem>>
    %dma_start3A_270 = arith.constant 0 : i32
    %dma_start3A_271 = arith.constant 0 : i32
    %dma_start3A_272 = tpu.memref_slice %arg2[%dma_start3A_270, %dma_start3A_271] : memref<1000000x64xf32, #tpu.memory_space<hbm>> -> memref<1000000x64xf32, #tpu.memory_space<hbm>>
    %dma_start3A_273 = tpu.memref_slice %arg7[%dma_start3A_263] : memref<2x!tpu.dma_semaphore, #tpu.memory_space<semaphore_mem>> -> memref<1x!tpu.dma_semaphore, #tpu.memory_space<semaphore_mem>>
    %dma_start3A_274 = tpu.memref_squeeze %dma_start3A_273 : memref<1x!tpu.dma_semaphore, #tpu.memory_space<semaphore_mem>> -> memref<!tpu.dma_semaphore, #tpu.memory_space<semaphore_mem>>
    tpu.enqueue_indirect_dma source(%dma_start3A_272 : memref<1000000x64xf32, #tpu.memory_space<hbm>>) target(%dma_start3A_267 : memref<800x64xf32, #tpu.memory_space<vmem>>) offsets(%dma_start3A_269 : memref<800xi32, #tpu.memory_space<vmem>>) semaphore(%dma_start3A_274 : memref<!tpu.dma_semaphore, #tpu.memory_space<semaphore_mem>>)
    %dma_wait3A_275 = arith.constant 0 : i32
    %dma_wait3A_276 = arith.constant 0 : i32
    %dma_wait3A_277 = arith.constant 0 : i32
    %dma_wait3A_278 = arith.constant 0 : i32
    %dma_wait3A_279 = tpu.memref_slice %arg6[%dma_wait3A_275, %dma_wait3A_277, %dma_wait3A_278] : memref<2x800x64xf32, #tpu.memory_space<vmem>> -> memref<1x800x64xf32, #tpu.memory_space<vmem>>
    %dma_wait3A_280 = tpu.memref_squeeze %dma_wait3A_279 : memref<1x800x64xf32, #tpu.memory_space<vmem>> -> memref<800x64xf32, #tpu.memory_space<vmem>>
    %dma_wait3A_281 = arith.constant 3200 : i32
    %dma_wait3A_282 = tpu.memref_slice %arg5[%dma_wait3A_281] : memref<6400xi32, #tpu.memory_space<vmem>> -> memref<800xi32, #tpu.memory_space<vmem>>
    %dma_wait3A_283 = arith.constant 0 : i32
    %dma_wait3A_284 = arith.constant 0 : i32
    %dma_wait3A_285 = tpu.memref_slice %arg2[%dma_wait3A_283, %dma_wait3A_284] : memref<1000000x64xf32, #tpu.memory_space<hbm>> -> memref<1000000x64xf32, #tpu.memory_space<hbm>>
    %dma_wait3A_286 = tpu.memref_slice %arg7[%dma_wait3A_276] : memref<2x!tpu.dma_semaphore, #tpu.memory_space<semaphore_mem>> -> memref<1x!tpu.dma_semaphore, #tpu.memory_space<semaphore_mem>>
    %dma_wait3A_287 = tpu.memref_squeeze %dma_wait3A_286 : memref<1x!tpu.dma_semaphore, #tpu.memory_space<semaphore_mem>> -> memref<!tpu.dma_semaphore, #tpu.memory_space<semaphore_mem>>
    tpu.wait_indirect_dma semaphore(%dma_wait3A_287 : memref<!tpu.dma_semaphore, #tpu.memory_space<semaphore_mem>>) src(%dma_wait3A_285 : memref<1000000x64xf32, #tpu.memory_space<hbm>>) dst(%dma_wait3A_280 : memref<800x64xf32, #tpu.memory_space<vmem>>)
    %add3A_288 = arith.constant 3200 : i32
    %add3A_289 = arith.addi %mul3A_2, %add3A_288 : i32
    %dma_start3A_290 = arith.constant 0 : i32
    %dma_start3A_291 = arith.constant 0 : i32
    %dma_start3A_292 = arith.constant 0 : i32
    %dma_start3A_293 = arith.constant 0 : i32
    %dma_start3A_294 = tpu.memref_slice %arg6[%dma_start3A_290, %dma_start3A_292, %dma_start3A_293] : memref<2x800x64xf32, #tpu.memory_space<vmem>> -> memref<1x800x64xf32, #tpu.memory_space<vmem>>
    %dma_start3A_295 = tpu.memref_squeeze %dma_start3A_294 : memref<1x800x64xf32, #tpu.memory_space<vmem>> -> memref<800x64xf32, #tpu.memory_space<vmem>>
    %dma_start3A_296 = arith.constant 0 : i32
    %dma_start3A_297 = tpu.memref_slice %arg4[%add3A_289, %dma_start3A_296] : memref<204800x64xf32, #tpu.memory_space<hbm>> -> memref<800x64xf32, #tpu.memory_space<hbm>>
    %dma_start3A_298 = tpu.memref_slice %arg8[%dma_start3A_291] : memref<2x!tpu.dma_semaphore, #tpu.memory_space<semaphore_mem>> -> memref<1x!tpu.dma_semaphore, #tpu.memory_space<semaphore_mem>>
    %dma_start3A_299 = tpu.memref_squeeze %dma_start3A_298 : memref<1x!tpu.dma_semaphore, #tpu.memory_space<semaphore_mem>> -> memref<!tpu.dma_semaphore, #tpu.memory_space<semaphore_mem>>
    %dma_start3A_300 = arith.constant 0 : i32
    %dma_start3A_301 = tpu.memref_slice %arg4[%add3A_289, %dma_start3A_300] : memref<204800x64xf32, #tpu.memory_space<hbm>> -> memref<800x64xf32, #tpu.memory_space<hbm>>
    %dma_start3A_302 = arith.constant 0 : i32
    %dma_start3A_303 = arith.constant 0 : i32
    %dma_start3A_304 = tpu.memref_slice %arg6[%dma_start3A_290, %dma_start3A_302, %dma_start3A_303] : memref<2x800x64xf32, #tpu.memory_space<vmem>> -> memref<1x800x64xf32, #tpu.memory_space<vmem>>
    %dma_start3A_305 = tpu.memref_squeeze %dma_start3A_304 : memref<1x800x64xf32, #tpu.memory_space<vmem>> -> memref<800x64xf32, #tpu.memory_space<vmem>>
    tpu.enqueue_dma source(%dma_start3A_305 : memref<800x64xf32, #tpu.memory_space<vmem>>) target(%dma_start3A_301 : memref<800x64xf32, #tpu.memory_space<hbm>>) target_semaphore(%dma_start3A_299 : memref<!tpu.dma_semaphore, #tpu.memory_space<semaphore_mem>>)
    %dma_wait3A_306 = arith.constant 0 : i32
    %dma_wait3A_307 = arith.constant 0 : i32
    %dma_wait3A_308 = arith.constant 0 : i32
    %dma_wait3A_309 = arith.constant 0 : i32
    %dma_wait3A_310 = tpu.memref_slice %arg6[%dma_wait3A_306, %dma_wait3A_308, %dma_wait3A_309] : memref<2x800x64xf32, #tpu.memory_space<vmem>> -> memref<1x800x64xf32, #tpu.memory_space<vmem>>
    %dma_wait3A_311 = tpu.memref_squeeze %dma_wait3A_310 : memref<1x800x64xf32, #tpu.memory_space<vmem>> -> memref<800x64xf32, #tpu.memory_space<vmem>>
    %dma_wait3A_312 = arith.constant 0 : i32
    %dma_wait3A_313 = arith.constant 0 : i32
    %dma_wait3A_314 = tpu.memref_slice %arg4[%dma_wait3A_312, %dma_wait3A_313] : memref<204800x64xf32, #tpu.memory_space<hbm>> -> memref<800x64xf32, #tpu.memory_space<hbm>>
    %dma_wait3A_315 = tpu.memref_slice %arg8[%dma_wait3A_307] : memref<2x!tpu.dma_semaphore, #tpu.memory_space<semaphore_mem>> -> memref<1x!tpu.dma_semaphore, #tpu.memory_space<semaphore_mem>>
    %dma_wait3A_316 = tpu.memref_squeeze %dma_wait3A_315 : memref<1x!tpu.dma_semaphore, #tpu.memory_space<semaphore_mem>> -> memref<!tpu.dma_semaphore, #tpu.memory_space<semaphore_mem>>
    %dma_wait3A_317 = arith.constant 0 : i32
    %dma_wait3A_318 = arith.constant 0 : i32
    %dma_wait3A_319 = tpu.memref_slice %arg4[%dma_wait3A_317, %dma_wait3A_318] : memref<204800x64xf32, #tpu.memory_space<hbm>> -> memref<800x64xf32, #tpu.memory_space<hbm>>
    %dma_wait3A_320 = arith.constant 0 : i32
    %dma_wait3A_321 = arith.constant 0 : i32
    %dma_wait3A_322 = tpu.memref_slice %arg6[%dma_wait3A_306, %dma_wait3A_320, %dma_wait3A_321] : memref<2x800x64xf32, #tpu.memory_space<vmem>> -> memref<1x800x64xf32, #tpu.memory_space<vmem>>
    %dma_wait3A_323 = tpu.memref_squeeze %dma_wait3A_322 : memref<1x800x64xf32, #tpu.memory_space<vmem>> -> memref<800x64xf32, #tpu.memory_space<vmem>>
    tpu.wait_dma2 semaphore(%dma_wait3A_316 : memref<!tpu.dma_semaphore, #tpu.memory_space<semaphore_mem>>) src(%dma_wait3A_323 : memref<800x64xf32, #tpu.memory_space<vmem>>) dst(%dma_wait3A_319 : memref<800x64xf32, #tpu.memory_space<hbm>>)
    %dma_start3A_324 = arith.constant 0 : i32
    %dma_start3A_325 = arith.constant 0 : i32
    %dma_start3A_326 = arith.constant 0 : i32
    %dma_start3A_327 = arith.constant 0 : i32
    %dma_start3A_328 = tpu.memref_slice %arg6[%dma_start3A_324, %dma_start3A_326, %dma_start3A_327] : memref<2x800x64xf32, #tpu.memory_space<vmem>> -> memref<1x800x64xf32, #tpu.memory_space<vmem>>
    %dma_start3A_329 = tpu.memref_squeeze %dma_start3A_328 : memref<1x800x64xf32, #tpu.memory_space<vmem>> -> memref<800x64xf32, #tpu.memory_space<vmem>>
    %dma_start3A_330 = arith.constant 4800 : i32
    %dma_start3A_331 = tpu.memref_slice %arg5[%dma_start3A_330] : memref<6400xi32, #tpu.memory_space<vmem>> -> memref<800xi32, #tpu.memory_space<vmem>>
    %dma_start3A_332 = arith.constant 0 : i32
    %dma_start3A_333 = arith.constant 0 : i32
    %dma_start3A_334 = tpu.memref_slice %arg2[%dma_start3A_332, %dma_start3A_333] : memref<1000000x64xf32, #tpu.memory_space<hbm>> -> memref<1000000x64xf32, #tpu.memory_space<hbm>>
    %dma_start3A_335 = tpu.memref_slice %arg7[%dma_start3A_325] : memref<2x!tpu.dma_semaphore, #tpu.memory_space<semaphore_mem>> -> memref<1x!tpu.dma_semaphore, #tpu.memory_space<semaphore_mem>>
    %dma_start3A_336 = tpu.memref_squeeze %dma_start3A_335 : memref<1x!tpu.dma_semaphore, #tpu.memory_space<semaphore_mem>> -> memref<!tpu.dma_semaphore, #tpu.memory_space<semaphore_mem>>
    tpu.enqueue_indirect_dma source(%dma_start3A_334 : memref<1000000x64xf32, #tpu.memory_space<hbm>>) target(%dma_start3A_329 : memref<800x64xf32, #tpu.memory_space<vmem>>) offsets(%dma_start3A_331 : memref<800xi32, #tpu.memory_space<vmem>>) semaphore(%dma_start3A_336 : memref<!tpu.dma_semaphore, #tpu.memory_space<semaphore_mem>>)
    %dma_wait3A_337 = arith.constant 1 : i32
    %dma_wait3A_338 = arith.constant 1 : i32
    %dma_wait3A_339 = arith.constant 0 : i32
    %dma_wait3A_340 = arith.constant 0 : i32
    %dma_wait3A_341 = tpu.memref_slice %arg6[%dma_wait3A_337, %dma_wait3A_339, %dma_wait3A_340] : memref<2x800x64xf32, #tpu.memory_space<vmem>> -> memref<1x800x64xf32, #tpu.memory_space<vmem>>
    %dma_wait3A_342 = tpu.memref_squeeze %dma_wait3A_341 : memref<1x800x64xf32, #tpu.memory_space<vmem>> -> memref<800x64xf32, #tpu.memory_space<vmem>>
    %dma_wait3A_343 = arith.constant 4000 : i32
    %dma_wait3A_344 = tpu.memref_slice %arg5[%dma_wait3A_343] : memref<6400xi32, #tpu.memory_space<vmem>> -> memref<800xi32, #tpu.memory_space<vmem>>
    %dma_wait3A_345 = arith.constant 0 : i32
    %dma_wait3A_346 = arith.constant 0 : i32
    %dma_wait3A_347 = tpu.memref_slice %arg2[%dma_wait3A_345, %dma_wait3A_346] : memref<1000000x64xf32, #tpu.memory_space<hbm>> -> memref<1000000x64xf32, #tpu.memory_space<hbm>>
    %dma_wait3A_348 = tpu.memref_slice %arg7[%dma_wait3A_338] : memref<2x!tpu.dma_semaphore, #tpu.memory_space<semaphore_mem>> -> memref<1x!tpu.dma_semaphore, #tpu.memory_space<semaphore_mem>>
    %dma_wait3A_349 = tpu.memref_squeeze %dma_wait3A_348 : memref<1x!tpu.dma_semaphore, #tpu.memory_space<semaphore_mem>> -> memref<!tpu.dma_semaphore, #tpu.memory_space<semaphore_mem>>
    tpu.wait_indirect_dma semaphore(%dma_wait3A_349 : memref<!tpu.dma_semaphore, #tpu.memory_space<semaphore_mem>>) src(%dma_wait3A_347 : memref<1000000x64xf32, #tpu.memory_space<hbm>>) dst(%dma_wait3A_342 : memref<800x64xf32, #tpu.memory_space<vmem>>)
    %add3A_350 = arith.constant 4000 : i32
    %add3A_351 = arith.addi %mul3A_2, %add3A_350 : i32
    %dma_start3A_352 = arith.constant 1 : i32
    %dma_start3A_353 = arith.constant 1 : i32
    %dma_start3A_354 = arith.constant 0 : i32
    %dma_start3A_355 = arith.constant 0 : i32
    %dma_start3A_356 = tpu.memref_slice %arg6[%dma_start3A_352, %dma_start3A_354, %dma_start3A_355] : memref<2x800x64xf32, #tpu.memory_space<vmem>> -> memref<1x800x64xf32, #tpu.memory_space<vmem>>
    %dma_start3A_357 = tpu.memref_squeeze %dma_start3A_356 : memref<1x800x64xf32, #tpu.memory_space<vmem>> -> memref<800x64xf32, #tpu.memory_space<vmem>>
    %dma_start3A_358 = arith.constant 0 : i32
    %dma_start3A_359 = tpu.memref_slice %arg4[%add3A_351, %dma_start3A_358] : memref<204800x64xf32, #tpu.memory_space<hbm>> -> memref<800x64xf32, #tpu.memory_space<hbm>>
    %dma_start3A_360 = tpu.memref_slice %arg8[%dma_start3A_353] : memref<2x!tpu.dma_semaphore, #tpu.memory_space<semaphore_mem>> -> memref<1x!tpu.dma_semaphore, #tpu.memory_space<semaphore_mem>>
    %dma_start3A_361 = tpu.memref_squeeze %dma_start3A_360 : memref<1x!tpu.dma_semaphore, #tpu.memory_space<semaphore_mem>> -> memref<!tpu.dma_semaphore, #tpu.memory_space<semaphore_mem>>
    %dma_start3A_362 = arith.constant 0 : i32
    %dma_start3A_363 = tpu.memref_slice %arg4[%add3A_351, %dma_start3A_362] : memref<204800x64xf32, #tpu.memory_space<hbm>> -> memref<800x64xf32, #tpu.memory_space<hbm>>
    %dma_start3A_364 = arith.constant 0 : i32
    %dma_start3A_365 = arith.constant 0 : i32
    %dma_start3A_366 = tpu.memref_slice %arg6[%dma_start3A_352, %dma_start3A_364, %dma_start3A_365] : memref<2x800x64xf32, #tpu.memory_space<vmem>> -> memref<1x800x64xf32, #tpu.memory_space<vmem>>
    %dma_start3A_367 = tpu.memref_squeeze %dma_start3A_366 : memref<1x800x64xf32, #tpu.memory_space<vmem>> -> memref<800x64xf32, #tpu.memory_space<vmem>>
    tpu.enqueue_dma source(%dma_start3A_367 : memref<800x64xf32, #tpu.memory_space<vmem>>) target(%dma_start3A_363 : memref<800x64xf32, #tpu.memory_space<hbm>>) target_semaphore(%dma_start3A_361 : memref<!tpu.dma_semaphore, #tpu.memory_space<semaphore_mem>>)
    %dma_wait3A_368 = arith.constant 1 : i32
    %dma_wait3A_369 = arith.constant 1 : i32
    %dma_wait3A_370 = arith.constant 0 : i32
    %dma_wait3A_371 = arith.constant 0 : i32
    %dma_wait3A_372 = tpu.memref_slice %arg6[%dma_wait3A_368, %dma_wait3A_370, %dma_wait3A_371] : memref<2x800x64xf32, #tpu.memory_space<vmem>> -> memref<1x800x64xf32, #tpu.memory_space<vmem>>
    %dma_wait3A_373 = tpu.memref_squeeze %dma_wait3A_372 : memref<1x800x64xf32, #tpu.memory_space<vmem>> -> memref<800x64xf32, #tpu.memory_space<vmem>>
    %dma_wait3A_374 = arith.constant 0 : i32
    %dma_wait3A_375 = arith.constant 0 : i32
    %dma_wait3A_376 = tpu.memref_slice %arg4[%dma_wait3A_374, %dma_wait3A_375] : memref<204800x64xf32, #tpu.memory_space<hbm>> -> memref<800x64xf32, #tpu.memory_space<hbm>>
    %dma_wait3A_377 = tpu.memref_slice %arg8[%dma_wait3A_369] : memref<2x!tpu.dma_semaphore, #tpu.memory_space<semaphore_mem>> -> memref<1x!tpu.dma_semaphore, #tpu.memory_space<semaphore_mem>>
    %dma_wait3A_378 = tpu.memref_squeeze %dma_wait3A_377 : memref<1x!tpu.dma_semaphore, #tpu.memory_space<semaphore_mem>> -> memref<!tpu.dma_semaphore, #tpu.memory_space<semaphore_mem>>
    %dma_wait3A_379 = arith.constant 0 : i32
    %dma_wait3A_380 = arith.constant 0 : i32
    %dma_wait3A_381 = tpu.memref_slice %arg4[%dma_wait3A_379, %dma_wait3A_380] : memref<204800x64xf32, #tpu.memory_space<hbm>> -> memref<800x64xf32, #tpu.memory_space<hbm>>
    %dma_wait3A_382 = arith.constant 0 : i32
    %dma_wait3A_383 = arith.constant 0 : i32
    %dma_wait3A_384 = tpu.memref_slice %arg6[%dma_wait3A_368, %dma_wait3A_382, %dma_wait3A_383] : memref<2x800x64xf32, #tpu.memory_space<vmem>> -> memref<1x800x64xf32, #tpu.memory_space<vmem>>
    %dma_wait3A_385 = tpu.memref_squeeze %dma_wait3A_384 : memref<1x800x64xf32, #tpu.memory_space<vmem>> -> memref<800x64xf32, #tpu.memory_space<vmem>>
    tpu.wait_dma2 semaphore(%dma_wait3A_378 : memref<!tpu.dma_semaphore, #tpu.memory_space<semaphore_mem>>) src(%dma_wait3A_385 : memref<800x64xf32, #tpu.memory_space<vmem>>) dst(%dma_wait3A_381 : memref<800x64xf32, #tpu.memory_space<hbm>>)
    %dma_start3A_386 = arith.constant 1 : i32
    %dma_start3A_387 = arith.constant 1 : i32
    %dma_start3A_388 = arith.constant 0 : i32
    %dma_start3A_389 = arith.constant 0 : i32
    %dma_start3A_390 = tpu.memref_slice %arg6[%dma_start3A_386, %dma_start3A_388, %dma_start3A_389] : memref<2x800x64xf32, #tpu.memory_space<vmem>> -> memref<1x800x64xf32, #tpu.memory_space<vmem>>
    %dma_start3A_391 = tpu.memref_squeeze %dma_start3A_390 : memref<1x800x64xf32, #tpu.memory_space<vmem>> -> memref<800x64xf32, #tpu.memory_space<vmem>>
    %dma_start3A_392 = arith.constant 5600 : i32
    %dma_start3A_393 = tpu.memref_slice %arg5[%dma_start3A_392] : memref<6400xi32, #tpu.memory_space<vmem>> -> memref<800xi32, #tpu.memory_space<vmem>>
    %dma_start3A_394 = arith.constant 0 : i32
    %dma_start3A_395 = arith.constant 0 : i32
    %dma_start3A_396 = tpu.memref_slice %arg2[%dma_start3A_394, %dma_start3A_395] : memref<1000000x64xf32, #tpu.memory_space<hbm>> -> memref<1000000x64xf32, #tpu.memory_space<hbm>>
    %dma_start3A_397 = tpu.memref_slice %arg7[%dma_start3A_387] : memref<2x!tpu.dma_semaphore, #tpu.memory_space<semaphore_mem>> -> memref<1x!tpu.dma_semaphore, #tpu.memory_space<semaphore_mem>>
    %dma_start3A_398 = tpu.memref_squeeze %dma_start3A_397 : memref<1x!tpu.dma_semaphore, #tpu.memory_space<semaphore_mem>> -> memref<!tpu.dma_semaphore, #tpu.memory_space<semaphore_mem>>
    tpu.enqueue_indirect_dma source(%dma_start3A_396 : memref<1000000x64xf32, #tpu.memory_space<hbm>>) target(%dma_start3A_391 : memref<800x64xf32, #tpu.memory_space<vmem>>) offsets(%dma_start3A_393 : memref<800xi32, #tpu.memory_space<vmem>>) semaphore(%dma_start3A_398 : memref<!tpu.dma_semaphore, #tpu.memory_space<semaphore_mem>>)
    %dma_wait3A_399 = arith.constant 0 : i32
    %dma_wait3A_400 = arith.constant 0 : i32
    %dma_wait3A_401 = arith.constant 0 : i32
    %dma_wait3A_402 = arith.constant 0 : i32
    %dma_wait3A_403 = tpu.memref_slice %arg6[%dma_wait3A_399, %dma_wait3A_401, %dma_wait3A_402] : memref<2x800x64xf32, #tpu.memory_space<vmem>> -> memref<1x800x64xf32, #tpu.memory_space<vmem>>
    %dma_wait3A_404 = tpu.memref_squeeze %dma_wait3A_403 : memref<1x800x64xf32, #tpu.memory_space<vmem>> -> memref<800x64xf32, #tpu.memory_space<vmem>>
    %dma_wait3A_405 = arith.constant 4800 : i32
    %dma_wait3A_406 = tpu.memref_slice %arg5[%dma_wait3A_405] : memref<6400xi32, #tpu.memory_space<vmem>> -> memref<800xi32, #tpu.memory_space<vmem>>
    %dma_wait3A_407 = arith.constant 0 : i32
    %dma_wait3A_408 = arith.constant 0 : i32
    %dma_wait3A_409 = tpu.memref_slice %arg2[%dma_wait3A_407, %dma_wait3A_408] : memref<1000000x64xf32, #tpu.memory_space<hbm>> -> memref<1000000x64xf32, #tpu.memory_space<hbm>>
    %dma_wait3A_410 = tpu.memref_slice %arg7[%dma_wait3A_400] : memref<2x!tpu.dma_semaphore, #tpu.memory_space<semaphore_mem>> -> memref<1x!tpu.dma_semaphore, #tpu.memory_space<semaphore_mem>>
    %dma_wait3A_411 = tpu.memref_squeeze %dma_wait3A_410 : memref<1x!tpu.dma_semaphore, #tpu.memory_space<semaphore_mem>> -> memref<!tpu.dma_semaphore, #tpu.memory_space<semaphore_mem>>
    tpu.wait_indirect_dma semaphore(%dma_wait3A_411 : memref<!tpu.dma_semaphore, #tpu.memory_space<semaphore_mem>>) src(%dma_wait3A_409 : memref<1000000x64xf32, #tpu.memory_space<hbm>>) dst(%dma_wait3A_404 : memref<800x64xf32, #tpu.memory_space<vmem>>)
    %add3A_412 = arith.constant 4800 : i32
    %add3A_413 = arith.addi %mul3A_2, %add3A_412 : i32
    %dma_start3A_414 = arith.constant 0 : i32
    %dma_start3A_415 = arith.constant 0 : i32
    %dma_start3A_416 = arith.constant 0 : i32
    %dma_start3A_417 = arith.constant 0 : i32
    %dma_start3A_418 = tpu.memref_slice %arg6[%dma_start3A_414, %dma_start3A_416, %dma_start3A_417] : memref<2x800x64xf32, #tpu.memory_space<vmem>> -> memref<1x800x64xf32, #tpu.memory_space<vmem>>
    %dma_start3A_419 = tpu.memref_squeeze %dma_start3A_418 : memref<1x800x64xf32, #tpu.memory_space<vmem>> -> memref<800x64xf32, #tpu.memory_space<vmem>>
    %dma_start3A_420 = arith.constant 0 : i32
    %dma_start3A_421 = tpu.memref_slice %arg4[%add3A_413, %dma_start3A_420] : memref<204800x64xf32, #tpu.memory_space<hbm>> -> memref<800x64xf32, #tpu.memory_space<hbm>>
    %dma_start3A_422 = tpu.memref_slice %arg8[%dma_start3A_415] : memref<2x!tpu.dma_semaphore, #tpu.memory_space<semaphore_mem>> -> memref<1x!tpu.dma_semaphore, #tpu.memory_space<semaphore_mem>>
    %dma_start3A_423 = tpu.memref_squeeze %dma_start3A_422 : memref<1x!tpu.dma_semaphore, #tpu.memory_space<semaphore_mem>> -> memref<!tpu.dma_semaphore, #tpu.memory_space<semaphore_mem>>
    %dma_start3A_424 = arith.constant 0 : i32
    %dma_start3A_425 = tpu.memref_slice %arg4[%add3A_413, %dma_start3A_424] : memref<204800x64xf32, #tpu.memory_space<hbm>> -> memref<800x64xf32, #tpu.memory_space<hbm>>
    %dma_start3A_426 = arith.constant 0 : i32
    %dma_start3A_427 = arith.constant 0 : i32
    %dma_start3A_428 = tpu.memref_slice %arg6[%dma_start3A_414, %dma_start3A_426, %dma_start3A_427] : memref<2x800x64xf32, #tpu.memory_space<vmem>> -> memref<1x800x64xf32, #tpu.memory_space<vmem>>
    %dma_start3A_429 = tpu.memref_squeeze %dma_start3A_428 : memref<1x800x64xf32, #tpu.memory_space<vmem>> -> memref<800x64xf32, #tpu.memory_space<vmem>>
    tpu.enqueue_dma source(%dma_start3A_429 : memref<800x64xf32, #tpu.memory_space<vmem>>) target(%dma_start3A_425 : memref<800x64xf32, #tpu.memory_space<hbm>>) target_semaphore(%dma_start3A_423 : memref<!tpu.dma_semaphore, #tpu.memory_space<semaphore_mem>>)
    %dma_wait3A_430 = arith.constant 1 : i32
    %dma_wait3A_431 = arith.constant 1 : i32
    %dma_wait3A_432 = arith.constant 0 : i32
    %dma_wait3A_433 = arith.constant 0 : i32
    %dma_wait3A_434 = tpu.memref_slice %arg6[%dma_wait3A_430, %dma_wait3A_432, %dma_wait3A_433] : memref<2x800x64xf32, #tpu.memory_space<vmem>> -> memref<1x800x64xf32, #tpu.memory_space<vmem>>
    %dma_wait3A_435 = tpu.memref_squeeze %dma_wait3A_434 : memref<1x800x64xf32, #tpu.memory_space<vmem>> -> memref<800x64xf32, #tpu.memory_space<vmem>>
    %dma_wait3A_436 = arith.constant 5600 : i32
    %dma_wait3A_437 = tpu.memref_slice %arg5[%dma_wait3A_436] : memref<6400xi32, #tpu.memory_space<vmem>> -> memref<800xi32, #tpu.memory_space<vmem>>
    %dma_wait3A_438 = arith.constant 0 : i32
    %dma_wait3A_439 = arith.constant 0 : i32
    %dma_wait3A_440 = tpu.memref_slice %arg2[%dma_wait3A_438, %dma_wait3A_439] : memref<1000000x64xf32, #tpu.memory_space<hbm>> -> memref<1000000x64xf32, #tpu.memory_space<hbm>>
    %dma_wait3A_441 = tpu.memref_slice %arg7[%dma_wait3A_431] : memref<2x!tpu.dma_semaphore, #tpu.memory_space<semaphore_mem>> -> memref<1x!tpu.dma_semaphore, #tpu.memory_space<semaphore_mem>>
    %dma_wait3A_442 = tpu.memref_squeeze %dma_wait3A_441 : memref<1x!tpu.dma_semaphore, #tpu.memory_space<semaphore_mem>> -> memref<!tpu.dma_semaphore, #tpu.memory_space<semaphore_mem>>
    tpu.wait_indirect_dma semaphore(%dma_wait3A_442 : memref<!tpu.dma_semaphore, #tpu.memory_space<semaphore_mem>>) src(%dma_wait3A_440 : memref<1000000x64xf32, #tpu.memory_space<hbm>>) dst(%dma_wait3A_435 : memref<800x64xf32, #tpu.memory_space<vmem>>)
    %add3A_443 = arith.constant 5600 : i32
    %add3A_444 = arith.addi %mul3A_2, %add3A_443 : i32
    %dma_start3A_445 = arith.constant 1 : i32
    %dma_start3A_446 = arith.constant 1 : i32
    %dma_start3A_447 = arith.constant 0 : i32
    %dma_start3A_448 = arith.constant 0 : i32
    %dma_start3A_449 = tpu.memref_slice %arg6[%dma_start3A_445, %dma_start3A_447, %dma_start3A_448] : memref<2x800x64xf32, #tpu.memory_space<vmem>> -> memref<1x800x64xf32, #tpu.memory_space<vmem>>
    %dma_start3A_450 = tpu.memref_squeeze %dma_start3A_449 : memref<1x800x64xf32, #tpu.memory_space<vmem>> -> memref<800x64xf32, #tpu.memory_space<vmem>>
    %dma_start3A_451 = arith.constant 0 : i32
    %dma_start3A_452 = tpu.memref_slice %arg4[%add3A_444, %dma_start3A_451] : memref<204800x64xf32, #tpu.memory_space<hbm>> -> memref<800x64xf32, #tpu.memory_space<hbm>>
    %dma_start3A_453 = tpu.memref_slice %arg8[%dma_start3A_446] : memref<2x!tpu.dma_semaphore, #tpu.memory_space<semaphore_mem>> -> memref<1x!tpu.dma_semaphore, #tpu.memory_space<semaphore_mem>>
    %dma_start3A_454 = tpu.memref_squeeze %dma_start3A_453 : memref<1x!tpu.dma_semaphore, #tpu.memory_space<semaphore_mem>> -> memref<!tpu.dma_semaphore, #tpu.memory_space<semaphore_mem>>
    %dma_start3A_455 = arith.constant 0 : i32
    %dma_start3A_456 = tpu.memref_slice %arg4[%add3A_444, %dma_start3A_455] : memref<204800x64xf32, #tpu.memory_space<hbm>> -> memref<800x64xf32, #tpu.memory_space<hbm>>
    %dma_start3A_457 = arith.constant 0 : i32
    %dma_start3A_458 = arith.constant 0 : i32
    %dma_start3A_459 = tpu.memref_slice %arg6[%dma_start3A_445, %dma_start3A_457, %dma_start3A_458] : memref<2x800x64xf32, #tpu.memory_space<vmem>> -> memref<1x800x64xf32, #tpu.memory_space<vmem>>
    %dma_start3A_460 = tpu.memref_squeeze %dma_start3A_459 : memref<1x800x64xf32, #tpu.memory_space<vmem>> -> memref<800x64xf32, #tpu.memory_space<vmem>>
    tpu.enqueue_dma source(%dma_start3A_460 : memref<800x64xf32, #tpu.memory_space<vmem>>) target(%dma_start3A_456 : memref<800x64xf32, #tpu.memory_space<hbm>>) target_semaphore(%dma_start3A_454 : memref<!tpu.dma_semaphore, #tpu.memory_space<semaphore_mem>>)
    %dma_wait3A_461 = arith.constant 1 : i32
    %dma_wait3A_462 = arith.constant 1 : i32
    %dma_wait3A_463 = arith.constant 0 : i32
    %dma_wait3A_464 = arith.constant 0 : i32
    %dma_wait3A_465 = tpu.memref_slice %arg6[%dma_wait3A_461, %dma_wait3A_463, %dma_wait3A_464] : memref<2x800x64xf32, #tpu.memory_space<vmem>> -> memref<1x800x64xf32, #tpu.memory_space<vmem>>
    %dma_wait3A_466 = tpu.memref_squeeze %dma_wait3A_465 : memref<1x800x64xf32, #tpu.memory_space<vmem>> -> memref<800x64xf32, #tpu.memory_space<vmem>>
    %dma_wait3A_467 = arith.constant 0 : i32
    %dma_wait3A_468 = arith.constant 0 : i32
    %dma_wait3A_469 = tpu.memref_slice %arg4[%dma_wait3A_467, %dma_wait3A_468] : memref<204800x64xf32, #tpu.memory_space<hbm>> -> memref<800x64xf32, #tpu.memory_space<hbm>>
    %dma_wait3A_470 = tpu.memref_slice %arg8[%dma_wait3A_462] : memref<2x!tpu.dma_semaphore, #tpu.memory_space<semaphore_mem>> -> memref<1x!tpu.dma_semaphore, #tpu.memory_space<semaphore_mem>>
    %dma_wait3A_471 = tpu.memref_squeeze %dma_wait3A_470 : memref<1x!tpu.dma_semaphore, #tpu.memory_space<semaphore_mem>> -> memref<!tpu.dma_semaphore, #tpu.memory_space<semaphore_mem>>
    %dma_wait3A_472 = arith.constant 0 : i32
    %dma_wait3A_473 = arith.constant 0 : i32
    %dma_wait3A_474 = tpu.memref_slice %arg4[%dma_wait3A_472, %dma_wait3A_473] : memref<204800x64xf32, #tpu.memory_space<hbm>> -> memref<800x64xf32, #tpu.memory_space<hbm>>
    %dma_wait3A_475 = arith.constant 0 : i32
    %dma_wait3A_476 = arith.constant 0 : i32
    %dma_wait3A_477 = tpu.memref_slice %arg6[%dma_wait3A_461, %dma_wait3A_475, %dma_wait3A_476] : memref<2x800x64xf32, #tpu.memory_space<vmem>> -> memref<1x800x64xf32, #tpu.memory_space<vmem>>
    %dma_wait3A_478 = tpu.memref_squeeze %dma_wait3A_477 : memref<1x800x64xf32, #tpu.memory_space<vmem>> -> memref<800x64xf32, #tpu.memory_space<vmem>>
    tpu.wait_dma2 semaphore(%dma_wait3A_471 : memref<!tpu.dma_semaphore, #tpu.memory_space<semaphore_mem>>) src(%dma_wait3A_478 : memref<800x64xf32, #tpu.memory_space<vmem>>) dst(%dma_wait3A_474 : memref<800x64xf32, #tpu.memory_space<hbm>>)
    return
  }
}

</mosaic_0001>

<sc_bundles>
// kernel: kernel.3.cloned.1.call-start
scs
__scs_entry_jumppad:
0x0: {  	(pc) =	sbr.rel $0x88, $3  }
0x1: {  	(tag) =	ssettag $0x0;
	lr =	simm.s32 $0x1  }
0x2: {  	[smem:$0x3F9F] =	sst lr;
	_ =	strace $0xD0000000  }
0x3: {  	_ = 	snop  }
0x4: {  	_ = 	snop  }
0x5: {  	_ = 	snop  }
0x6: {  	_ = 	snop  }
0x7: {  	_ = 	snop  }
__scs_overlays_trampoline_lowered:
0x8: {  	[smem:$0x3FAE] =	sst s0  }
0x9: {  	[smem:$0x3FAF] =	sst s1  }
0xa: {  	[smem:$0x3FB0] =	sst s2  }
0xb: {  	[smem:$0x3FB1] =	sst s3  }
0xc: {  	[smem:$0x3FB2] =	sst s4  }
0xd: {  	[smem:$0x3FB3] =	sst s5  }
0xe: {  	[smem:$0x3FB4] =	sst s6  }
0xf: {  	[smem:$0x3FB5] =	sst s7  }
0x10: {  	[smem:$0x3FB6] =	sst s8  }
0x11: {  	[smem:$0x3FB7] =	sst s9;
	s0 =	simm.s32 @!p0 $0x0  }
0x12: {  	s1 =	sld [smem:$0x3F9D];
	s0 =	simm.s32 @p0 $0x1  }
0x13: {  	[smem:$0x3FB8] =	sst s0;
	s0 =	simm.s32 @!p1 $0x0  }
0x14: {  	s2 =	sld [smem:$0x3F9C];
	s0 =	simm.s32 @p1 $0x1  }
0x15: {  	[smem:$0x3FB9] =	sst s0;
	s0 =	simm.s32 @!p2 $0x0  }
0x16: {  	s3 =	sld [smem:$0x3FDB];
	s0 =	simm.s32 @p2 $0x1  }
0x17: {  	s4 =	simm.s32 $0x1BF5;
	[smem:$0x3FBB] =	sst s0  }
0x18: {  	s0 =	sld [smem:$0x3F9E];
	_ =	swait.ge [sflag:s4], $0x0  }
0x19: {  	s7 =	sld [smem:$0x3F9F]  }
0x1a: {  	s8 =	sadd.s32 $0xFFFFE003, lr  }
0x1b: {  	s9 =	sadd.s32 $0xFFFFFEF7, lr;
	s5 =	simm.s32 $0xFFFFFFFF;
	p2 =	slt.u32 s8, $0xFFFFF086  }
0x1c: {  	p1 =	slt.u32 s9, $0xF7A;
	s5 =	simm.s32 @!p2 $0x0  }
0x1d: {  	s5 =	simm.s32 @p1 $0x1;
	p0 =	seq.s32 s7, s2  }
0x1e: {  	s7 =	smul.u32 @!p0 $0xF7A, s2;
	p2 =	seq.s32 @!p0 s5, $0x0  }
0x1f: {  	s9 =	smul.u32 $0xF7A, s1;
	s8 =	simm.s32 @!p0 $0x1BF5;
	p2 =	por !p2, p0  }
0x20: {  	[sflag:s8] =	ssyncset.s32 @!p0 $0xFFFFF086;
	s6 =	sadd.s32 @!p0 s3, s7;
	s7 =	simm.s32 @!p0 $0x108  }
0x21: {  	s3 =	sadd.s32 s3, s9;
	s6 =	sadd.s32 @!p0 $0x88, s6;
	s7 =	simm.s32 @p2 $0x1082  }
0x22: {  	[simem:s7], [sflag:s8] =	dma.local @!p0 [hbm:s6], $0xF7A  }
0x23: {  	s9 =	sor.u32 $0xD0000000, s2;
	s6 =	simm.s32 $0x108;
	_ =	swait.ge @!p0 [sflag:s8], $0x0  }
0x24: {  	s3 =	sadd.s32 $0x88, s3;
	s6 =	simm.s32 @!p1 $0x1082;
	[sflag:s4] =	ssyncset.s32 $0xFFFFF086  }
0x25: {  	[simem:s6], [sflag:s4] =	dma.local [hbm:s3], $0xF7A  }
0x26: {  	[smem:$0x3F9F] =	sst s1;
	(tag) =	ssettag s2;
	_ =	strace s9  }
0x27: {  	s1 =	sld [smem:$0x3FAF]  }
0x28: {  	s2 =	sld [smem:$0x3FB0]  }
0x29: {  	s4 =	sld [smem:$0x3FB2]  }
0x2a: {  	p0 =	seq.s32 s5, $0x0;
	s5 =	sld [smem:$0x3FB3]  }
0x2b: {  	s6 =	sld [smem:$0x3FB4]  }
0x2c: {  	s7 =	sld [smem:$0x3FB5]  }
0x2d: {  	s3 =	simm.s32 $0x108;
	s8 =	sld [smem:$0x3FB6]  }
0x2e: {  	s3 =	simm.s32 @!p0 $0x1082;
	s9 =	sld [smem:$0x3FB7]  }
0x2f: {  	lr =	sadd.s32 s0, s3;
	s0 =	sld [smem:$0x3FAE]  }
0x30: {  	s3 =	sld [smem:$0x3FB1]  }
0x31: {  	[smem:$0x3FBA] =	sst s10  }
0x32: {  	s10 =	sld [smem:$0x3FB8];
	_ =	sdelay $0x3  }
0x33: {  	p0 =	seq.s32 s10, $0x1;
	s10 =	sld [smem:$0x3FBA];
	_ =	sdelay $0x3  }
0x34: {  	[smem:$0x3FBA] =	sst s10  }
0x35: {  	s10 =	sld [smem:$0x3FB9];
	_ =	sdelay $0x3  }
0x36: {  	p1 =	seq.s32 s10, $0x1;
	s10 =	sld [smem:$0x3FBA];
	_ =	sdelay $0x3  }
0x37: {  	[smem:$0x3FBA] =	sst s10  }
0x38: {  	s10 =	sld [smem:$0x3FBB]  }
0x39: {  	_ = 	snop;
	(pc) =	sbr.ind lr, $3  }
0x3a: {  	_ = 	snop  }
0x3b: {  	_ = 	snop  }
0x3c: {  	p2 =	seq.s32 s10, $0x1;
	s10 =	sld [smem:$0x3FBA]  }
0x3d: {  	_ =	shalt  }
0x3e: {  	_ =	shalt  }
0x3f: {  	_ =	shalt  }
0x40: {  	_ =	shalt  }
0x41: {  	_ =	shalt  }
0x42: {  	_ =	shalt  }
0x43: {  	_ =	shalt  }
0x44: {  	_ =	shalt  }
0x45: {  	_ =	shalt  }
0x46: {  	_ =	shalt  }
0x47: {  	_ =	shalt  }
0x48: {  	_ =	shalt  }
0x49: {  	_ =	shalt  }
0x4a: {  	_ =	shalt  }
0x4b: {  	_ =	shalt  }
0x4c: {  	_ =	shalt  }
0x4d: {  	_ =	shalt  }
0x4e: {  	_ =	shalt  }
0x4f: {  	_ =	shalt  }
0x50: {  	_ =	shalt  }
0x51: {  	_ =	shalt  }
0x52: {  	_ =	shalt  }
0x53: {  	_ =	shalt  }
0x54: {  	_ =	shalt  }
0x55: {  	_ =	shalt  }
0x56: {  	_ =	shalt  }
0x57: {  	_ =	shalt  }
0x58: {  	_ =	shalt  }
0x59: {  	_ =	shalt  }
0x5a: {  	_ =	shalt  }
0x5b: {  	_ =	shalt  }
0x5c: {  	_ =	shalt  }
0x5d: {  	_ =	shalt  }
0x5e: {  	_ =	shalt  }
0x5f: {  	_ =	shalt  }
0x60: {  	_ =	shalt  }
0x61: {  	_ =	shalt  }
0x62: {  	_ =	shalt  }
0x63: {  	_ =	shalt  }
0x64: {  	_ =	shalt  }
0x65: {  	_ =	shalt  }
0x66: {  	_ =	shalt  }
0x67: {  	_ =	shalt  }
0x68: {  	_ =	shalt  }
0x69: {  	_ =	shalt  }
0x6a: {  	_ =	shalt  }
0x6b: {  	_ =	shalt  }
0x6c: {  	_ =	shalt  }
0x6d: {  	_ =	shalt  }
0x6e: {  	_ =	shalt  }
0x6f: {  	_ =	shalt  }
0x70: {  	_ =	shalt  }
0x71: {  	_ =	shalt  }
0x72: {  	_ =	shalt  }
0x73: {  	_ =	shalt  }
0x74: {  	_ =	shalt  }
0x75: {  	_ =	shalt  }
0x76: {  	_ =	shalt  }
0x77: {  	_ =	shalt  }
0x78: {  	_ =	shalt  }
0x79: {  	_ =	shalt  }
0x7a: {  	_ =	shalt  }
0x7b: {  	_ =	shalt  }
0x7c: {  	_ =	shalt  }
0x7d: {  	_ =	shalt  }
0x7e: {  	_ =	shalt  }
0x7f: {  	_ =	shalt  }
0x80: {  	_ =	shalt  }
0x81: {  	_ =	shalt  }
0x82: {  	_ =	shalt  }
0x83: {  	_ =	shalt  }
0x84: {  	_ =	shalt  }
0x85: {  	_ =	shalt  }
0x86: {  	_ =	shalt  }
0x87: {  	_ =	shalt  }
.Lfunc_end0:
.L_simem_size_0:
called_computation.1_lowered:
.L_overlay_start_0:
0x88: {  	s2 =	sld [smem:$0x3FD9]  }
0x89: {  	s3 =	sld [smem:$0x3FFE];
	_ =	sdelay $0x1  }
0x8a: {  	s1 =	srdreg.scid  }
0x8b: {  	s0 =	sand.u32 $0x1, s1  }
0x8c: {  	s17 =	sshll.u32 s0, $0xA;
	s2 =	sadd.s32 s3, s2  }
0x8d: {  	s2 =	sadd.s32 s2, s17  }
0x8e: {  	[smem:$0x3FC6] =	sst s2  }
0x8f: {  	_ = 	snop  }
0x90: {  	s2 =	sld [smem:$0x3FD0];
	(tm) =	ssettm $0x1  }
0x91: {  	s18 =	sld [smem:$0x3FFB];
	_ =	sdelay $0x3  }
0x92: {  	_ =	strace s18  }
0x93: {  	s3 =	sld [smem:$0x3FFC];
	_ =	sdelay $0x3  }
0x94: {  	_ =	strace s3  }
0x95: {  	s3 =	sld [smem:$0x3FFD];
	_ =	sdelay $0x3  }
0x96: {  	_ =	strace s3  }
0x97: {  	_ =	strace $0x8FFFFFFF  }
0x98: {  	s19 =	sld [smem:$0x3FDB];
	_ =	sdelay $0x1  }
0x99: {  	s4 =	simm.s32 $_scs_section_size  }
0x9a: {  	s5 =	simm.s32 $_size__tile_overlayer_lowered;
	s6 =	simm.s32 $_tile_overlayer_lowered  }
0x9b: {  	s22 =	simm.s32 $0x1BFF;
	s21 =	sshll.u32 s6, $0x1;
	s3 =	sadd.s32 s4, s19  }
0x9c: {  	s7 =	simm.s32 $0x0;
	s20 =	sshll.u32 s5, $0x1;
	s5 =	sadd.s32 s21, s3  }
0x9d: {  	[timem:s7], [sflag:s22] =	dma.local [hbm:s5], s20  }
0x9e: {  	_ =	swait.ge [sflag:s22], s20  }
0x9f: {  	s4 =	ssub.s32 $0x0, s20;
	[sflag:s22] =	ssyncset.done $0x0  }
0xa0: {  	[sflag:s22] =	ssyncadd.s32 s4;
	_ =	sdelay $0x1  }
0xa1: {  	s23 =	simm.s32 $0x1B8B  }
0xa2: {  	_ =	swait.ge [sflag:s23], $0x1  }
0xa3: {  	[sflag:s23] =	ssyncset.done $0x0  }
0xa4: {  	s25 =	simm.s32 $0x1B8E;
	s24 =	sld [smem:$0x3FFE];
	[sflag:s23] =	ssyncadd.s32 $0xFFFFFFFF  }
0xa5: {  	s26 =	simm.s32 $execute0_lowered;
	[smem:$0x3FD2] =	sst s25  }
0xa6: {  	s5 =	sshll.u32 s26, $0x1;
	_ =	strace $0x80000046;
	[dreg:$0x1] =	wrdreg $0xFFFFFFFF  }
0xa7: {  	s28 =	simm.s32 $_size_execute0_lowered;
	s3 =	sadd.s32 s3, s5;
	[dreg:$0x0] =	wrdreg $0x0  }
0xa8: {  	s5 =	sshll.u32 s28, $0x1;
	[dreg:$0x2] =	wrdreg s3  }
0xa9: {  	[dreg:$0x3] =	wrdreg s5  }
0xaa: {  	[dreg:$0x4] =	wrdreg $0xC0  }
0xab: {  	_ =	task [dreg:s7], $0x5FFFF  }
0xac: {  	[dreg:$0x1] =	wrdreg $0xFFFFFFFF  }
0xad: {  	[dreg:$0x0] =	wrdreg $0x60  }
0xae: {  	[dreg:$0x2] =	wrdreg s24  }
0xaf: {  	[dreg:$0x3] =	wrdreg s2  }
0xb0: {  	[dreg:$0x4] =	wrdreg $0x9  }
0xb1: {  	_ =	task.clear_ibuf [dreg:s7], $0x5FFFF;
	_ =	strace $0x90000046  }
0xb2: {  	s29 =	simm.s32 $0x9;
	_ =	strace $0x80000048  }
0xb3: {  	_ =	swait.ge [sflag:s29], $0x1  }
0xb4: {  	[sflag:s29] =	ssyncadd.s32 $0xFFFFFFFF  }
0xb5: {  	_ =	strace $0x90000048  }
0xb6: {  	_ =	sfence  }
0xb7: {  	s30 =	sld [smem:$0x0];
	_ =	sdelay $0x2  }
0xb8: {  	s31 =	sshll.u32 s1, $0xD;
	s1 =	sshrl.u32 s1, $0x2  }
0xb9: {  	s3 =	sand.u32 $0x4000, s31;
	s1 =	sadd.s32 s1, s30  }
0xba: {  	s0 =	sor.u32 s3, s0;
	s1 =	sshll.u32 s1, $0x11  }
0xbb: {  	s0 =	sor.u32 s1, s0  }
0xbc: {  	s0 =	sadd.s32 $0x8F2B, s0  }
0xbd: {  	[sflag:s0] =	ssyncadd.remote.s32 $0x1  }
0xbe: {  	_ =	sfence.sel $0xFFFF  }
0xbf: {  	[dreg:$0x0] =	wrdreg $0xFFFFFFFF;
	(pc) =	sbr.abs _section_cstart, $3  }
0xc0: {  	[dreg:$0x1] =	wrdreg $0xFFFFFFFF  }
0xc1: {  	_ =	task.clear_ibuf [dreg:s7], $0x2FFFF;
	_ =	strace $0x9FFFFFFF  }
0xc2: {  	(tm) =	ssettm $0x7FFFFFFF  }
0xc3: {  	_ =	shalt  }
tec
execute0_lowered:
.L_overlay_start_1:
0x0: {  	(tag) =	ssettag $0x1  }
0x1: {  	s1 =	srdreg.scid;
	s0 =	stileid.u32  }
0x2: {  	s25 =	sand.u32 $0x1, s1;
	s31 =	sshll.u32 s0, $0x1  }
0x3: {  	s12 =	sor.u32 s25, s31  }
0x4: {  	s5 =	rddreg [dreg:$0x0];
	s3 =	smul.u32 $0x320, s12  }
0x5: {  	s14 =	rddreg [dreg:$0x1];
	s2 =	simm.s32 $0x0  }
0x6: {  	s4 =	simm.s32 $0x5;
	[smem:$0x7FF] =	sst s2;
	s3 =	sadd.s32 s3, s5  }
0x7: {  	s1 =	rddreg [dreg:$0x2];
	_ =	strace $0x80000047;
	s3 =	sadd.s32 $0xA00, s3  }
0x8: {  	[tilespmem:s2], [sflag:$0x5] =	stream.linear.gather [hbm4b:s3+s2], $0x1900, $0x38;
	[tilespmem:$0x1A900] =	vst v63  }
0x9: {  	_ =	swait.ge [sflag:s4], $0x1900  }
0xa: {  	s6 =	simm.s32 $0x320;
	[sflag:s4] =	ssyncset.done $0x0  }
0xb: {  	s7 =	simm.s32 $0x1900;
	s5 =	sadd.s32 $0xF42E00, s5;
	[sflag:s4] =	ssyncadd.s32 $0xFFFFE700  }
0xc: {  	[tilespmem:s7], [sflag:$0x1] =	stream.indirect.gather [hbm4b:s5+s6], $0x40, s2, s6, $0xb8;
	[tilespmem:$0x1A900] =	vst v63  }
0xd: {  	s8 =	simm.s32 $0xE100;
	s9 =	simm.s32 $0x1  }
0xe: {  	[tilespmem:s8], [sflag:$0x2] =	stream.indirect.gather [hbm4b:s5+s6], $0x40, s6, s6, $0xb8;
	[tilespmem:$0x1A900] =	vst v63  }
0xf: {  	s10 =	smul.u32 $0xC800, s12;
	_ =	swait.ge [sflag:s9], $0xC800  }
0x10: {  	[sflag:s9] =	ssyncset.done $0x0  }
0x11: {  	s11 =	simm.s32 $0x3;
	s10 =	sadd.s32 s14, s10;
	[sflag:s9] =	ssyncadd.s32 $0xFFFF3800  }
0x12: {  	[hbm4b:s10+s2] =	stream.linear.scatter [tilespmem:s7], [sflag:$0x3], $0xC800, $0x38;
	[tilespmem:$0x1A900] =	vst v63  }
0x13: {  	_ =	swait.ge [sflag:s11], $0xC800  }
0x14: {  	s13 =	simm.s32 $0x2;
	[sflag:s11] =	ssyncset.done $0x0  }
0x15: {  	s15 =	smul.u32 $0x64000, s12;
	s12 =	simm.s32 $0x640;
	[sflag:s11] =	ssyncadd.s32 $0xFFFF3800  }
0x16: {  	[tilespmem:s7], [sflag:$0x1] =	stream.indirect.gather [hbm4b:s5+s6], $0x40, s12, s6, $0xb8;
	[tilespmem:$0x1A900] =	vst v63  }
0x17: {  	s15 =	sshrl.u32 s15, $0x3;
	_ =	swait.ge [sflag:s13], $0xC800  }
0x18: {  	s26 =	sadd.s32 s14, s15;
	[sflag:s13] =	ssyncset.done $0x0  }
0x19: {  	s14 =	simm.s32 $0x4;
	s15 =	sadd.s32 $0x1900, s26;
	[sflag:s13] =	ssyncadd.s32 $0xFFFF3800  }
0x1a: {  	[hbm4b:s15+s2] =	stream.linear.scatter [tilespmem:s8], [sflag:$0x4], $0xC800, $0x38;
	[tilespmem:$0x1A900] =	vst v63  }
0x1b: {  	_ =	swait.ge [sflag:s14], $0xC800  }
0x1c: {  	[sflag:s14] =	ssyncset.done $0x0  }
0x1d: {  	s16 =	simm.s32 $0x960;
	[sflag:s14] =	ssyncadd.s32 $0xFFFF3800  }
0x1e: {  	[tilespmem:s8], [sflag:$0x2] =	stream.indirect.gather [hbm4b:s5+s6], $0x40, s16, s6, $0xb8;
	[tilespmem:$0x1A900] =	vst v63  }
0x1f: {  	_ =	swait.ge [sflag:s9], $0xC800  }
0x20: {  	[sflag:s9] =	ssyncset.done $0x0  }
0x21: {  	s17 =	sadd.s32 $0x3200, s26;
	[sflag:s9] =	ssyncadd.s32 $0xFFFF3800  }
0x22: {  	[hbm4b:s17+s2] =	stream.linear.scatter [tilespmem:s7], [sflag:$0x3], $0xC800, $0x38;
	[tilespmem:$0x1A900] =	vst v63  }
0x23: {  	_ =	swait.ge [sflag:s11], $0xC800  }
0x24: {  	[sflag:s11] =	ssyncset.done $0x0  }
0x25: {  	s18 =	simm.s32 $0xC80;
	[sflag:s11] =	ssyncadd.s32 $0xFFFF3800  }
0x26: {  	[tilespmem:s7], [sflag:$0x1] =	stream.indirect.gather [hbm4b:s5+s6], $0x40, s18, s6, $0xb8;
	[tilespmem:$0x1A900] =	vst v63  }
0x27: {  	_ =	swait.ge [sflag:s13], $0xC800  }
0x28: {  	[sflag:s13] =	ssyncset.done $0x0  }
0x29: {  	s19 =	sadd.s32 $0x4B00, s26;
	[sflag:s13] =	ssyncadd.s32 $0xFFFF3800  }
0x2a: {  	[hbm4b:s19+s2] =	stream.linear.scatter [tilespmem:s8], [sflag:$0x4], $0xC800, $0x38;
	[tilespmem:$0x1A900] =	vst v63  }
0x2b: {  	_ =	swait.ge [sflag:s14], $0xC800  }
0x2c: {  	[sflag:s14] =	ssyncset.done $0x0  }
0x2d: {  	s20 =	simm.s32 $0xFA0;
	[sflag:s14] =	ssyncadd.s32 $0xFFFF3800  }
0x2e: {  	[tilespmem:s8], [sflag:$0x2] =	stream.indirect.gather [hbm4b:s5+s6], $0x40, s20, s6, $0xb8;
	[tilespmem:$0x1A900] =	vst v63  }
0x2f: {  	_ =	swait.ge [sflag:s9], $0xC800  }
0x30: {  	[sflag:s9] =	ssyncset.done $0x0  }
0x31: {  	s21 =	sadd.s32 $0x6400, s26;
	[sflag:s9] =	ssyncadd.s32 $0xFFFF3800  }
0x32: {  	[hbm4b:s21+s2] =	stream.linear.scatter [tilespmem:s7], [sflag:$0x3], $0xC800, $0x38;
	[tilespmem:$0x1A900] =	vst v63  }
0x33: {  	_ =	swait.ge [sflag:s11], $0xC800  }
0x34: {  	[sflag:s11] =	ssyncset.done $0x0  }
0x35: {  	s22 =	simm.s32 $0x12C0;
	[sflag:s11] =	ssyncadd.s32 $0xFFFF3800  }
0x36: {  	[tilespmem:s7], [sflag:$0x1] =	stream.indirect.gather [hbm4b:s5+s6], $0x40, s22, s6, $0xb8;
	[tilespmem:$0x1A900] =	vst v63  }
0x37: {  	_ =	swait.ge [sflag:s13], $0xC800  }
0x38: {  	[sflag:s13] =	ssyncset.done $0x0  }
0x39: {  	s23 =	sadd.s32 $0x7D00, s26;
	[sflag:s13] =	ssyncadd.s32 $0xFFFF3800  }
0x3a: {  	[hbm4b:s23+s2] =	stream.linear.scatter [tilespmem:s8], [sflag:$0x4], $0xC800, $0x38;
	[tilespmem:$0x1A900] =	vst v63  }
0x3b: {  	_ =	swait.ge [sflag:s14], $0xC800  }
0x3c: {  	[sflag:s14] =	ssyncset.done $0x0  }
0x3d: {  	s24 =	simm.s32 $0x15E0;
	s28 =	ssub.s32 $0x2, s25;
	[sflag:s14] =	ssyncadd.s32 $0xFFFF3800  }
0x3e: {  	[tilespmem:s8], [sflag:$0x2] =	stream.indirect.gather [hbm4b:s5+s6], $0x40, s24, s6, $0xb8;
	[tilespmem:$0x1A900] =	vst v63  }
0x3f: {  	s29 =	sshrl.u32 s28, $0x1;
	_ =	swait.ge [sflag:s9], $0xC800  }
0x40: {  	s28 =	ssub.s32 s28, s29;
	[sflag:s9] =	ssyncset.done $0x0  }
0x41: {  	s28 =	smax.u32 s28, $0x1;
	s25 =	sadd.s32 $0x9600, s26;
	[sflag:s9] =	ssyncadd.s32 $0xFFFF3800  }
0x42: {  	[hbm4b:s25+s2] =	stream.linear.scatter [tilespmem:s7], [sflag:$0x3], $0xC800, $0x38;
	[tilespmem:$0x1A900] =	vst v63  }
0x43: {  	p0 =	sne.s32 s28, $0x1;
	_ =	swait.ge [sflag:s13], $0xC800  }
.Ltmp0:
0x44: {  	[sflag:s13] =	ssyncset.done $0x0;
	(pc) =	sbr.rel @!p0 .LBB2_2-.Ltmp0, $4  }
0x45: {  	s26 =	sadd.s32 $0xAF00, s26;
	[sflag:s13] =	ssyncadd.s32 $0xFFFF3800  }
0x46: {  	[hbm4b:s26+s2] =	stream.linear.scatter [tilespmem:s8], [sflag:$0x4], $0xC800, $0x38;
	[tilespmem:$0x1A900] =	vst v63  }
0x47: {  	_ =	swait.ge [sflag:s14], $0xC800  }
0x48: {  	s28 =	sadd.s32 $0xFFFFFFFF, s28;
	[sflag:s14] =	ssyncset.done $0x0  }
.LBB2_1:
0x49: {  	p0 =	sne.s32 s28, $0x1;
	s28 =	sadd.s32 $0xFFFFFFFF, s28;
	[sflag:s14] =	ssyncadd.s32 $0xFFFF3800  }
0x4a: {  	[tilespmem:s2], [sflag:$0x5] =	stream.linear.gather [hbm4b:s3+s2], $0x1900, $0x38;
	[tilespmem:$0x1A900] =	vst v63  }
0x4b: {  	_ =	swait.ge [sflag:s4], $0x1900  }
0x4c: {  	[sflag:s4] =	ssyncset.done $0x0  }
0x4d: {  	[sflag:s4] =	ssyncadd.s32 $0xFFFFE700  }
0x4e: {  	[tilespmem:s7], [sflag:$0x1] =	stream.indirect.gather [hbm4b:s5+s6], $0x40, s2, s6, $0xb8;
	[tilespmem:$0x1A900] =	vst v63  }
0x4f: {  	_ = 	snop  }
0x50: {  	[tilespmem:s8], [sflag:$0x2] =	stream.indirect.gather [hbm4b:s5+s6], $0x40, s6, s6, $0xb8;
	[tilespmem:$0x1A900] =	vst v63  }
0x51: {  	_ =	swait.ge [sflag:s9], $0xC800  }
0x52: {  	[sflag:s9] =	ssyncset.done $0x0  }
0x53: {  	[sflag:s9] =	ssyncadd.s32 $0xFFFF3800  }
0x54: {  	[hbm4b:s10+s2] =	stream.linear.scatter [tilespmem:s7], [sflag:$0x3], $0xC800, $0x38;
	[tilespmem:$0x1A900] =	vst v63  }
0x55: {  	_ =	swait.ge [sflag:s11], $0xC800  }
0x56: {  	[sflag:s11] =	ssyncset.done $0x0  }
0x57: {  	[sflag:s11] =	ssyncadd.s32 $0xFFFF3800  }
0x58: {  	[tilespmem:s7], [sflag:$0x1] =	stream.indirect.gather [hbm4b:s5+s6], $0x40, s12, s6, $0xb8;
	[tilespmem:$0x1A900] =	vst v63  }
0x59: {  	_ =	swait.ge [sflag:s13], $0xC800  }
0x5a: {  	[sflag:s13] =	ssyncset.done $0x0  }
0x5b: {  	[sflag:s13] =	ssyncadd.s32 $0xFFFF3800  }
0x5c: {  	[hbm4b:s15+s2] =	stream.linear.scatter [tilespmem:s8], [sflag:$0x4], $0xC800, $0x38;
	[tilespmem:$0x1A900] =	vst v63  }
0x5d: {  	_ =	swait.ge [sflag:s14], $0xC800  }
0x5e: {  	[sflag:s14] =	ssyncset.done $0x0  }
0x5f: {  	[sflag:s14] =	ssyncadd.s32 $0xFFFF3800  }
0x60: {  	[tilespmem:s8], [sflag:$0x2] =	stream.indirect.gather [hbm4b:s5+s6], $0x40, s16, s6, $0xb8;
	[tilespmem:$0x1A900] =	vst v63  }
0x61: {  	_ =	swait.ge [sflag:s9], $0xC800  }
0x62: {  	[sflag:s9] =	ssyncset.done $0x0  }
0x63: {  	[sflag:s9] =	ssyncadd.s32 $0xFFFF3800  }
0x64: {  	[hbm4b:s17+s2] =	stream.linear.scatter [tilespmem:s7], [sflag:$0x3], $0xC800, $0x38;
	[tilespmem:$0x1A900] =	vst v63  }
0x65: {  	_ =	swait.ge [sflag:s11], $0xC800  }
0x66: {  	[sflag:s11] =	ssyncset.done $0x0  }
0x67: {  	[sflag:s11] =	ssyncadd.s32 $0xFFFF3800  }
0x68: {  	[tilespmem:s7], [sflag:$0x1] =	stream.indirect.gather [hbm4b:s5+s6], $0x40, s18, s6, $0xb8;
	[tilespmem:$0x1A900] =	vst v63  }
0x69: {  	_ =	swait.ge [sflag:s13], $0xC800  }
0x6a: {  	[sflag:s13] =	ssyncset.done $0x0  }
0x6b: {  	[sflag:s13] =	ssyncadd.s32 $0xFFFF3800  }
0x6c: {  	[hbm4b:s19+s2] =	stream.linear.scatter [tilespmem:s8], [sflag:$0x4], $0xC800, $0x38;
	[tilespmem:$0x1A900] =	vst v63  }
0x6d: {  	_ =	swait.ge [sflag:s14], $0xC800  }
0x6e: {  	[sflag:s14] =	ssyncset.done $0x0  }
0x6f: {  	[sflag:s14] =	ssyncadd.s32 $0xFFFF3800  }
0x70: {  	[tilespmem:s8], [sflag:$0x2] =	stream.indirect.gather [hbm4b:s5+s6], $0x40, s20, s6, $0xb8;
	[tilespmem:$0x1A900] =	vst v63  }
0x71: {  	_ =	swait.ge [sflag:s9], $0xC800  }
0x72: {  	[sflag:s9] =	ssyncset.done $0x0  }
0x73: {  	[sflag:s9] =	ssyncadd.s32 $0xFFFF3800  }
0x74: {  	[hbm4b:s21+s2] =	stream.linear.scatter [tilespmem:s7], [sflag:$0x3], $0xC800, $0x38;
	[tilespmem:$0x1A900] =	vst v63  }
0x75: {  	_ =	swait.ge [sflag:s11], $0xC800  }
0x76: {  	[sflag:s11] =	ssyncset.done $0x0  }
0x77: {  	[sflag:s11] =	ssyncadd.s32 $0xFFFF3800  }
0x78: {  	[tilespmem:s7], [sflag:$0x1] =	stream.indirect.gather [hbm4b:s5+s6], $0x40, s22, s6, $0xb8;
	[tilespmem:$0x1A900] =	vst v63  }
0x79: {  	_ =	swait.ge [sflag:s13], $0xC800  }
0x7a: {  	[sflag:s13] =	ssyncset.done $0x0  }
0x7b: {  	[sflag:s13] =	ssyncadd.s32 $0xFFFF3800  }
0x7c: {  	[hbm4b:s23+s2] =	stream.linear.scatter [tilespmem:s8], [sflag:$0x4], $0xC800, $0x38;
	[tilespmem:$0x1A900] =	vst v63  }
0x7d: {  	_ =	swait.ge [sflag:s14], $0xC800  }
0x7e: {  	[sflag:s14] =	ssyncset.done $0x0  }
0x7f: {  	[sflag:s14] =	ssyncadd.s32 $0xFFFF3800  }
0x80: {  	[tilespmem:s8], [sflag:$0x2] =	stream.indirect.gather [hbm4b:s5+s6], $0x40, s24, s6, $0xb8;
	[tilespmem:$0x1A900] =	vst v63  }
0x81: {  	_ =	swait.ge [sflag:s9], $0xC800  }
0x82: {  	[sflag:s9] =	ssyncset.done $0x0  }
0x83: {  	[sflag:s9] =	ssyncadd.s32 $0xFFFF3800  }
0x84: {  	[hbm4b:s25+s2] =	stream.linear.scatter [tilespmem:s7], [sflag:$0x3], $0xC800, $0x38;
	[tilespmem:$0x1A900] =	vst v63  }
0x85: {  	_ =	swait.ge [sflag:s13], $0xC800  }
.Ltmp1:
0x86: {  	[sflag:s13] =	ssyncset.done $0x0;
	(pc) =	sbr.rel @p0 .LBB2_1-.Ltmp1, $4  }
0x87: {  	[sflag:s13] =	ssyncadd.s32 $0xFFFF3800  }
0x88: {  	[hbm4b:s26+s2] =	stream.linear.scatter [tilespmem:s8], [sflag:$0x4], $0xC800, $0x38;
	[tilespmem:$0x1A900] =	vst v63  }
0x89: {  	_ =	swait.ge [sflag:s14], $0xC800  }
0x8a: {  	[sflag:s14] =	ssyncset.done $0x0  }
.LBB2_2:
0x8b: {  	[sflag:s14] =	ssyncadd.s32 $0xFFFF3800  }
0x8c: {  	_ =	sfence.sel $0x180000  }
0x8d: {  	[bflag:$0x0] =	sbarrier.arrive $0xFFFF  }
0x8e: {  	p0 =	sne.s32 s0, $0x0;
	_ =	strace $0x90000047  }
0x8f: {  	s0 =	sadd.s32 @!p0 $0x100000, s1;
	[bflag:$0x2] =	sbarrier.arrive $0xFFFF  }
0x90: {  	[sflag:s0] =	ssyncadd.tile.s32 @!p0 $0x1;
	_ =	shalt  }
.Lfunc_end2:
_tile_overlayer_lowered:
.L_overlay_start_2:
0x91: {  	(tag) =	ssettag $0x2  }
0x92: {  	s0 =	rddreg [dreg:$0x0];
	s2 =	stileid.u32  }
0x93: {  	s1 =	rddreg [dreg:$0x1];
	p0 =	sne.s32 s2, $0x0  }
0x94: {  	s3 =	rddreg [dreg:$0x2];
	[bflag:$0x3] =	sbarrier.arrive $0xFFFF;
	s2 =	simm.s32 @!p0 $0x1C05  }
0x95: {  	[timem:s3], [sflag:s2] =	dma.local @!p0 [hbm:s0], s1  }
0x96: {  	s0 =	simm.s32 @!p0 $0x5  }
0x97: {  	_ =	swait.ge @!p0 [sflag:s0], s1  }
0x98: {  	s1 =	ssub.s32 @!p0 $0x0, s1;
	[sflag:s0] =	ssyncset.done @!p0 $0x0  }
0x99: {  	[sflag:s0] =	ssyncadd.s32 @!p0 s1  }
0x9a: {  	[bflag:$0x3] =	sbarrier.arrive $0xFFFF  }
0x9b: {  	_ =	shalt  }

// kernel: sparse-core-data-format-call.cloned.1.call-start
scs
called_computation_lowered:
.L_overlay_start_0:
0x0: {  	s2 =	sld [smem:$0x3FD9]  }
0x1: {  	s3 =	sld [smem:$0x3FFE];
	_ =	sdelay $0x1  }
0x2: {  	s1 =	srdreg.scid  }
0x3: {  	s0 =	sand.u32 $0x1, s1  }
0x4: {  	s18 =	sshll.u32 s0, $0xA;
	s2 =	sadd.s32 s3, s2  }
0x5: {  	s2 =	sadd.s32 s2, s18  }
0x6: {  	[smem:$0x3FC6] =	sst s2  }
0x7: {  	_ = 	snop  }
0x8: {  	s2 =	sld [smem:$0x3FD0];
	(tm) =	ssettm $0x1  }
0x9: {  	s19 =	sld [smem:$0x3FFB];
	_ =	sdelay $0x3  }
0xa: {  	_ =	strace s19  }
0xb: {  	s3 =	sld [smem:$0x3FFC];
	_ =	sdelay $0x3  }
0xc: {  	_ =	strace s3  }
0xd: {  	s3 =	sld [smem:$0x3FFD];
	_ =	sdelay $0x3  }
0xe: {  	_ =	strace s3  }
0xf: {  	_ =	strace $0x8FFFFFFF  }
0x10: {  	s20 =	sld [smem:$0x3FDB];
	_ =	sdelay $0x1  }
0x11: {  	s4 =	simm.s32 $_scs_section_size  }
0x12: {  	s5 =	simm.s32 $_size__tile_overlayer_lowered;
	s6 =	simm.s32 $_tile_overlayer_lowered  }
0x13: {  	s23 =	simm.s32 $0x1BFF;
	s22 =	sshll.u32 s6, $0x1;
	s3 =	sadd.s32 s4, s20  }
0x14: {  	s7 =	simm.s32 $0x0;
	s21 =	sshll.u32 s5, $0x1;
	s5 =	sadd.s32 s22, s3  }
0x15: {  	[timem:s7], [sflag:s23] =	dma.local [hbm:s5], s21  }
0x16: {  	_ =	swait.ge [sflag:s23], s21  }
0x17: {  	s4 =	ssub.s32 $0x0, s21;
	[sflag:s23] =	ssyncset.done $0x0  }
0x18: {  	[sflag:s23] =	ssyncadd.s32 s4;
	_ =	sdelay $0x1  }
0x19: {  	s24 =	simm.s32 $0x1B8B  }
0x1a: {  	_ =	swait.ge [sflag:s24], $0x1  }
0x1b: {  	[sflag:s24] =	ssyncset.done $0x0  }
0x1c: {  	s26 =	simm.s32 $0x1B8E;
	s25 =	sld [smem:$0x3FFE];
	[sflag:s24] =	ssyncadd.s32 $0xFFFFFFFF  }
0x1d: {  	s27 =	simm.s32 $execute0_lowered;
	[smem:$0x3FD2] =	sst s26  }
0x1e: {  	s5 =	sshll.u32 s27, $0x1;
	_ =	strace $0x80000049;
	[dreg:$0x1] =	wrdreg $0xFFFFFFFF  }
0x1f: {  	s28 =	simm.s32 $_size_execute0_lowered;
	s3 =	sadd.s32 s3, s5;
	[dreg:$0x0] =	wrdreg $0x0  }
0x20: {  	s5 =	sshll.u32 s28, $0x1;
	[dreg:$0x2] =	wrdreg s3  }
0x21: {  	[dreg:$0x3] =	wrdreg s5  }
0x22: {  	[dreg:$0x4] =	wrdreg $0xC0  }
0x23: {  	_ =	task [dreg:s7], $0x5FFFF  }
0x24: {  	[dreg:$0x1] =	wrdreg $0xFFFFFFFF  }
0x25: {  	[dreg:$0x0] =	wrdreg $0x60  }
0x26: {  	[dreg:$0x2] =	wrdreg s25  }
0x27: {  	[dreg:$0x3] =	wrdreg s2  }
0x28: {  	[dreg:$0x4] =	wrdreg $0x9  }
0x29: {  	_ =	task.clear_ibuf [dreg:s7], $0x5FFFF;
	_ =	strace $0x90000049  }
0x2a: {  	s29 =	simm.s32 $0x9;
	_ =	strace $0x8000004B  }
0x2b: {  	_ =	swait.ge [sflag:s29], $0x1  }
0x2c: {  	[sflag:s29] =	ssyncadd.s32 $0xFFFFFFFF  }
0x2d: {  	_ =	strace $0x9000004B  }
0x2e: {  	_ =	sfence  }
0x2f: {  	s30 =	sld [smem:$0x0];
	_ =	sdelay $0x2  }
0x30: {  	s31 =	sshll.u32 s1, $0xD;
	s1 =	sshrl.u32 s1, $0x2  }
0x31: {  	s3 =	sand.u32 $0x4000, s31;
	s1 =	sadd.s32 s1, s30  }
0x32: {  	s0 =	sor.u32 s3, s0;
	s1 =	sshll.u32 s1, $0x11  }
0x33: {  	s0 =	sor.u32 s1, s0  }
0x34: {  	s0 =	sadd.s32 $0x8F2B, s0  }
0x35: {  	[sflag:s0] =	ssyncadd.remote.s32 $0x1  }
0x36: {  	_ =	sfence.sel $0xFFFF  }
0x37: {  	[dreg:$0x0] =	wrdreg $0xFFFFFFFF;
	(pc) =	sbr.abs _section_cstart, $3  }
0x38: {  	[dreg:$0x1] =	wrdreg $0xFFFFFFFF  }
0x39: {  	_ =	task.clear_ibuf [dreg:s7], $0x2FFFF;
	_ =	strace $0x9FFFFFFF  }
0x3a: {  	(tm) =	ssettm $0x7FFFFFFF  }
0x3b: {  	_ =	shalt  }
tec
execute0_lowered:
.L_overlay_start_1:
0x0: {  	(tag) =	ssettag $0x1  }
0x1: {  	s0 =	srdreg.scid  }
0x2: {  	s1 =	sshll.u32 s0, $0x4  }
0x3: {  	s0 =	stileid.u32;
	s1 =	sand.u32 $0x10, s1  }
0x4: {  	s1 =	sor.u32 s0, s1  }
0x5: {  	s6 =	rddreg [dreg:$0x0];
	s4 =	simm.s32 $0x1;
	s2 =	sshll.u32 s1, $0x7  }
0x6: {  	s7 =	simm.s32 $0x2;
	s12 =	simm.s32 $0x0;
	s1 =	ssub.s32 $0x1000, s2  }
0x7: {  	s8 =	simm.s32 $0x8000;
	s13 =	simm.s32 $0x0;
	s3 =	sand.u32 $0xF80, s1  }
0x8: {  	s9 =	simm.s32 $0x0;
	s5 =	sshrl.u32 s1, $0xC;
	p0 =	sne.s32 s3, $0x0  }
.Ltmp0:
0x9: {  	s1 =	rddreg [dreg:$0x2];
	s4 =	simm.s32 @!p0 $0x0;
	(pc) =	sbr.rel .LBB1_1-.Ltmp0, $4  }
0xa: {  	s11 =	simm.s32 $0x0;
	s3 =	rddreg [dreg:$0x1];
	s5 =	sadd.s32 s4, s5  }
0xb: {  	_ =	strace $0x8000004A;
	s4 =	simm.s32 $0x1;
	s5 =	smul.u32 $0x32, s5  }
0xc: {  	s6 =	sadd.s32 $0xA00, s6;
	s10 =	smov.u32 s2;
	[sflag:s4] =	ssyncpa.u1 $0x0  }
0xd: {  	p0 =	por $0x0, $0x0;
	[sflag:s7] =	ssyncpa.u1 $0x0;
	s7 =	sor.u32 $0x1, s5  }
.LBB1_4:
0xe: {  	s16 =	sshll.u32 s13, $0x3;
	s17 =	sand.u32 $0x78, s13  }
0xf: {  	s30 =	sand.u32 $0x7E00, s13;
	s12 =	sshll.u32 s12, $0xF;
	s16 =	sand.u32 $0xC00, s16  }
0x10: {  	[tilespmem:s15+$0x810 ss:$0x81] =	vst.msk $0xffff, v2;
	s31 =	sand.u32 $0x7, s13;
	s16 =	sor.u32 s17, s16;
	s17 =	sadd.s32 s3, s30  }
0x11: {  	[tilespmem:s15+$0x1020 ss:$0x81] =	vst.msk $0xffff, v0;
	s13 =	sshll.u32 s31, $0x12;
	s12 =	sadd.s32 s12, s17;
	s16 =	sshrl.u32 s16, $0x3  }
0x12: {  	[tilespmem:s15+$0x0 ss:$0x81] =	vst.msk $0xffff, v1;
	s13 =	sor.u32 $0x400, s13;
	s12 =	sadd.s32 s16, s12  }
0x13: {  	[hbm4b:s12+s13] =	stream.strided.scatter [tilespmem:s14], [sflag:$0x2], $0x2000, s8, s13, $0x20;
	[tilespmem:$0x8080] =	vst v63  }
.LBB1_5:
0x14: {  	s14 =	sadd.s32 $0x1, s9  }
0x15: {  	s12 =	sadd.s32 $0x1000, s10;
	s16 =	smov.u32 s10;
	p2 =	sgt.s32 s14, $0x31  }
0x16: {  	s16 =	smov.u32 @p2 s12  }
0x17: {  	s14 =	simm.s32 @p2 $0x0;
	p2 =	sgt.s32 s16, $0xFFF  }
0x18: {  	s16 =	smov.u32 @p2 s2;
	p2 =	sne.s32 s11, s7  }
.Ltmp1:
0x19: {  	p1 =	slt.u32 s11, $0x2;
	(pc) =	sbr.rel @!p2 .LBB1_6-.Ltmp1, $4  }
0x1a: {  	s15 =	simm.s32 @!p1 $0x2  }
0x1b: {  	s13 =	smov.u32 s10;
	p0 =	por !p0, !p0;
	_ =	swait.ge @!p1 [sflag:s15], $0x2000  }
0x1c: {  	s12 =	smov.u32 s9;
	[sflag:s15] =	ssyncset.done @!p1 $0x0;
	s9 =	smov.u32 s14  }
0x1d: {  	s11 =	sadd.s32 $0x1, s11;
	[sflag:s15] =	ssyncadd.s32 @!p1 $0xFFFFE000;
	s10 =	smov.u32 s16  }
.LBB1_1:
0x1e: {  	p1 =	sge.u32 s11, s5  }
0x1f: {  	s14 =	sand.u32 @!p1 $0x1FFFFFF, s9  }
0x20: {  	s15 =	smulhi.u32 @!p1 $0x4924925, s14;
	_ =	sdelay $0x1  }
0x21: {  	s15 =	smul.u32 @!p1 $0x38, s15  }
0x22: {  	s16 =	sxor.u32 @!p1 $0xFFFFFFFF, s11;
	s17 =	smul.u32 @!p1 $0x380, s10  }
0x23: {  	s31 =	sadd.s32 $0xFFFFFFFF, s11;
	s16 =	sshll.u32 @!p1 s16, $0xD;
	s14 =	ssub.s32 @!p1 s14, s15  }
0x24: {  	s15 =	sand.u32 @!p1 $0x2000, s16;
	s16 =	sadd.s32 @!p1 s6, s17;
	s14 =	sshll.u32 @!p1 s14, $0x4  }
0x25: {  	s17 =	simm.s32 @!p1 $0x1C00;
	s14 =	sadd.s32 @!p1 s14, s16;
	s16 =	simm.s32 @!p1 $0x40  }
0x26: {  	[tilespmem:s15], [sflag:$0x1] =	stream.strided.gather @!p1 [hbm4b:s14+s16], $0x2000, s17, s16, $0x38;
	[tilespmem:$0x8080] =	vst v63  }
0x27: {  	p1 =	sge.u32 s31, s5  }
.Ltmp2:
0x28: {  	_ = 	snop;
	(pc) =	sbr.rel @p1 .LBB1_5-.Ltmp2, $1  }
0x29: {  	_ =	sdelay $0x3  }
0x2a: {  	s14 =	simm.s32 $0x1  }
0x2b: {  	_ =	swait.ge [sflag:s4], $0x2000;
	s14 =	simm.s32 @!p0 $0x0  }
0x2c: {  	[sflag:s4] =	ssyncset.done $0x0;
	s15 =	sshll.u32 s14, $0xD  }
0x2d: {  	[sflag:s4] =	ssyncadd.s32 $0xFFFFE000;
	s18 =	sor.u32 $0x20, s15  }
0x2e: {  	s14 =	smul.u32 $0x8100, s14;
	v3 =	vld [tilespmem:s18+$0x10]  }
0x2f: {  	s30 =	sand.u32 $0x1, s11;
	v2 =	vld [tilespmem:s18+$0xFFFFFFF0]  }
0x30: {  	s15 =	smul.u32 $0x8100, s30;
	s14 =	sshrl.u32 s14, $0x2;
	v0 =	vld [tilespmem:s18+$0x0]  }
0x31: {  	v1 =	vld [tilespmem:s18+$0xFFFFFFE0];
	s16 =	sor.u32 $0x4000, s14  }
0x32: {  	s31 =	sshrl.u32 s15, $0x2;
	s15 =	sadd.s32 $0x0, s16  }
0x33: {  	s17 =	simm.s32 $0x4;
	s18 =	sadd.s32 $0x40, s18;
	s14 =	sor.u32 $0x4000, s31;
	[tilespmem:s15+$0x1830 ss:$0x81] =	vst.msk $0xffff, v3  }
.LBB1_3:
0x34: {  	v3 =	vld [tilespmem:s18+$0x10];
	p1 =	sne.s32 s17, $0x1FC;
	[tilespmem:s15+$0x810 ss:$0x81] =	vst.msk $0xffff, v2;
	s19 =	smov.u32 s17;
	s17 =	sadd.s32 $0x4, s17  }
.Ltmp3:
0x35: {  	v2 =	vld [tilespmem:s18+$0xFFFFFFF0];
	[tilespmem:s15+$0x1020 ss:$0x81] =	vst.msk $0xffff, v0;
	(pc) =	sbr.rel @p1 .LBB1_3-.Ltmp3, $4  }
0x36: {  	v0 =	vld [tilespmem:s18+$0x0];
	[tilespmem:s15+$0x0 ss:$0x81] =	vst.msk $0xffff, v1  }
0x37: {  	s15 =	sshra.s32 s19, $0x2;
	v1 =	vld [tilespmem:s18+$0xFFFFFFE0]  }
0x38: {  	s15 =	sadd.s32 s15, s16  }
0x39: {  	s18 =	sadd.s32 $0x40, s18;
	[tilespmem:s15+$0x1830 ss:$0x81] =	vst.msk $0xffff, v3  }
.Ltmp4:
0x3a: {  	_ = 	snop;
	(pc) =	sbr.rel .LBB1_4-.Ltmp4, $1  }
0x3b: {  	_ =	sdelay $0x3  }
.LBB1_6:
0x3c: {  	_ =	sfence.sel $0x180000  }
0x3d: {  	s2 =	simm.s32 $0x1;
	[bflag:$0x0] =	sbarrier.arrive $0xFFFF  }
0x3e: {  	s31 =	simm.s32 $0x2;
	[sflag:s2] =	ssyncpa.u1 $0x1  }
0x3f: {  	[sflag:s31] =	ssyncpa.u1 $0x1  }
0x40: {  	p0 =	sne.s32 s0, $0x0;
	_ =	strace $0x9000004A  }
0x41: {  	s0 =	sadd.s32 @!p0 $0x100000, s1;
	[bflag:$0x2] =	sbarrier.arrive $0xFFFF  }
0x42: {  	[sflag:s0] =	ssyncadd.tile.s32 @!p0 $0x1;
	_ =	shalt  }
.Lfunc_end1:
_tile_overlayer_lowered:
.L_overlay_start_2:
0x43: {  	(tag) =	ssettag $0x2  }
0x44: {  	s0 =	rddreg [dreg:$0x0];
	s2 =	stileid.u32  }
0x45: {  	s1 =	rddreg [dreg:$0x1];
	p0 =	sne.s32 s2, $0x0  }
0x46: {  	s3 =	rddreg [dreg:$0x2];
	[bflag:$0x3] =	sbarrier.arrive $0xFFFF;
	s2 =	simm.s32 @!p0 $0x1C01  }
0x47: {  	[timem:s3], [sflag:s2] =	dma.local @!p0 [hbm:s0], s1  }
0x48: {  	s0 =	simm.s32 @!p0 $0x1  }
0x49: {  	_ =	swait.ge @!p0 [sflag:s0], s1  }
0x4a: {  	s1 =	ssub.s32 @!p0 $0x0, s1;
	[sflag:s0] =	ssyncset.done @!p0 $0x0  }
0x4b: {  	[sflag:s0] =	ssyncadd.s32 @!p0 s1  }
0x4c: {  	[bflag:$0x3] =	sbarrier.arrive $0xFFFF  }
0x4d: {  	_ =	shalt  }

</sc_bundles>
